<compile_context>
chip_gen: v7x
topology: tpu7x:2x2x1
jax: 0.10.2.dev20260603
libtpu: 0.0.44.dev20260713+nightly
codegen_flags: <defaults>
</compile_context>

<pallas_src>
import functools

import jax
import jax.numpy as jnp
from jax import lax
from jax.experimental import pallas as pl
from jax.experimental.pallas import tpu as pltpu
from jax.experimental.pallas import tpu_sc as plsc

_NC = 2
_NS = 16
_NW = _NC * _NS

_TILE = 64


def _router_body(x_ref, wr_ref, rank_ref, ept_ref, aux_ref):
    T, D = x_ref.shape
    E = wr_ref.shape[0]
    NT = T // _TILE + E
    x = x_ref[...]
    wr = wr_ref[...]
    logits = lax.dot_general(
        x, wr, (((1,), (1,)), ((), ())),
        preferred_element_type=jnp.float32,
    )
    m = jnp.max(logits, axis=1, keepdims=True)
    lane = lax.broadcasted_iota(jnp.int32, (T, E), 1)
    eid = jnp.min(jnp.where(logits == m, lane, E), axis=1, keepdims=True)
    onehot = (lane == eid).astype(jnp.float32)

    counts = jnp.sum(onehot, axis=0, keepdims=True)
    ntiles = jnp.floor((counts + (_TILE - 1.0)) * (1.0 / _TILE))

    c = ntiles
    k = 1
    while k < E:
        shifted = jnp.concatenate(
            [jnp.zeros((1, k), jnp.float32), c[:, : E - k]], axis=1)
        c = c + shifted
        k *= 2
    tstart = c - ntiles
    row_off = tstart * float(_TILE)
    total_tiles = c[:, E - 1:E]

    p = onehot
    k = 1
    while k < T:
        shifted = jnp.concatenate(
            [jnp.zeros((k, E), jnp.float32), p[: T - k, :]], axis=0)
        p = p + shifted
        k *= 2
    rank = jnp.sum(onehot * (row_off + p - 1.0), axis=1, keepdims=True)
    rank_ref[...] = rank.astype(jnp.int32)

    ti = lax.broadcasted_iota(jnp.int32, (NT, E), 0).astype(jnp.float32)
    lane_f = lax.broadcasted_iota(jnp.int32, (NT, E), 1).astype(jnp.float32)
    mask = jnp.logical_and(ti >= tstart, ti < tstart + ntiles)
    maskf = mask.astype(jnp.float32)
    ept = jnp.sum(lane_f * maskf, axis=1, keepdims=True)
    anyf = jnp.sum(maskf, axis=1, keepdims=True)
    lane1 = lax.broadcasted_iota(jnp.int32, (1, E), 1).astype(jnp.float32)
    lastexp = jnp.max(lane1 * (ntiles > 0.0).astype(jnp.float32),
                      axis=1, keepdims=True)
    ept = ept + (1.0 - anyf) * lastexp
    ept_ref[...] = jnp.concatenate([ept, total_tiles], axis=0).astype(
        jnp.int32)

    probs = jnp.exp(logits - m)
    probs = probs / jnp.sum(probs, axis=1, keepdims=True)
    mean_prob = jnp.sum(probs, axis=0, keepdims=True) * (1.0 / T)
    frac = counts * (1.0 / T)
    aux_ref[...] = E * jnp.sum(frac * mean_prob, axis=1, keepdims=True)


def _swiglu_tile(xb, gw, uw, dw):
    g = lax.dot_general(xb, gw, (((1,), (1,)), ((), ())),
                        preferred_element_type=jnp.float32)
    u = lax.dot_general(xb, uw, (((1,), (1,)), ((), ())),
                        preferred_element_type=jnp.float32)
    h = g * lax.logistic(g) * u
    return lax.dot_general(h, dw, (((1,), (1,)), ((), ())),
                           preferred_element_type=jnp.float32)


def _shared_body(x_ref, wsg_ref, wsu_ref, wsd_ref, y_ref):
    y_ref[...] = _swiglu_tile(
        x_ref[...], wsg_ref[...], wsu_ref[...], wsd_ref[...])


def _moe_body(ept_ref, x_ref, weg_ref, weu_ref, wed_ref, y_ref):
    t = pl.program_id(0)
    total_tiles = ept_ref[ept_ref.shape[0] - 1]

    @pl.when(t < total_tiles)
    def _():
        y_ref[...] = _swiglu_tile(
            x_ref[...], weg_ref[0], weu_ref[0], wed_ref[0])


def _dispatch_body(x_hbm, rank_hbm, xs_hbm, idx_v, rows_v, sem):
    ch = idx_v.shape[0]
    wid = lax.axis_index("s") * _NC + lax.axis_index("c")
    base = wid * ch
    pltpu.sync_copy(rank_hbm.at[pl.ds(base, ch)], idx_v)
    pltpu.sync_copy(x_hbm.at[pl.ds(base, ch)], rows_v)
    pltpu.async_copy(rows_v, xs_hbm.at[idx_v], sem).wait()


def _return_body(ys_hbm, rank_hbm, sh_hbm, out_hbm, idx_v, rows_v, sh_v, sem):
    ch = idx_v.shape[0]
    d = rows_v.shape[1]
    wid = lax.axis_index("s") * _NC + lax.axis_index("c")
    base = wid * ch
    pltpu.sync_copy(rank_hbm.at[pl.ds(base, ch)], idx_v)
    cp = pltpu.async_copy(ys_hbm.at[idx_v], rows_v, sem)
    pltpu.sync_copy(sh_hbm.at[pl.ds(base, ch)], sh_v)
    cp.wait()

    def row(r, carry):
        for c in range(d // 16):
            sl = pl.ds(c * 16, 16)
            rows_v[r, sl] = rows_v[r, sl] + sh_v[r, sl]
        return carry

    lax.fori_loop(0, ch, row, 0)
    pltpu.sync_copy(rows_v, out_hbm.at[pl.ds(base, ch)])


def kernel(x, ws_up, ws_gate, ws_down, we_up, we_gate, we_down, wr):
    B, S, D = x.shape
    E, F, _ = we_up.shape
    T = B * S
    NT = T // _TILE + E
    TP = NT * _TILE
    CH = T // _NW

    x_flat = x.reshape(T, D)

    rank2, ept2, aux = pl.pallas_call(
        _router_body,
        out_shape=(
            jax.ShapeDtypeStruct((T, 1), jnp.int32),
            jax.ShapeDtypeStruct((NT + 1, 1), jnp.int32),
            jax.ShapeDtypeStruct((1, 1), jnp.float32),
        ),
    )(x_flat, wr)
    rank = rank2.reshape(T)
    ept = ept2.reshape(NT + 1)

    SH_TILE = 512
    shared = pl.pallas_call(
        _shared_body,
        grid=(T // SH_TILE,),
        in_specs=[
            pl.BlockSpec((SH_TILE, D), lambda i: (i, 0)),
            pl.BlockSpec((F, D), lambda i: (0, 0)),
            pl.BlockSpec((F, D), lambda i: (0, 0)),
            pl.BlockSpec((D, F), lambda i: (0, 0)),
        ],
        out_specs=pl.BlockSpec((SH_TILE, D), lambda i: (i, 0)),
        out_shape=jax.ShapeDtypeStruct((T, D), jnp.float32),
    )(x_flat, ws_gate, ws_up, ws_down)

    mesh = plsc.VectorSubcoreMesh(core_axis_name="c", subcore_axis_name="s")
    dispatch = functools.partial(
        pl.kernel,
        mesh=mesh,
        out_type=jax.ShapeDtypeStruct((TP, D), jnp.float32),
        scratch_types=[
            pltpu.VMEM((CH,), jnp.int32),
            pltpu.VMEM((CH, D), jnp.float32),
            pltpu.SemaphoreType.DMA,
        ],
    )(_dispatch_body)
    xs = dispatch(x_flat, rank)


    def _tile_idx(t, ept):
        return (jnp.minimum(t, ept[NT] - 1), 0)

    grid_spec = pltpu.PrefetchScalarGridSpec(
        num_scalar_prefetch=1,
        grid=(NT,),
        in_specs=[
            pl.BlockSpec((_TILE, D), _tile_idx),
            pl.BlockSpec((1, F, D), lambda t, ept: (ept[t], 0, 0)),
            pl.BlockSpec((1, F, D), lambda t, ept: (ept[t], 0, 0)),
            pl.BlockSpec((1, D, F), lambda t, ept: (ept[t], 0, 0)),
        ],
        out_specs=pl.BlockSpec((_TILE, D), _tile_idx),
    )
    ys = pl.pallas_call(
        _moe_body,
        grid_spec=grid_spec,
        out_shape=jax.ShapeDtypeStruct((TP, D), jnp.float32),
    )(ept, xs, we_gate, we_up, we_down)

    gather = functools.partial(
        pl.kernel,
        mesh=mesh,
        out_type=jax.ShapeDtypeStruct((T, D), jnp.float32),
        scratch_types=[
            pltpu.VMEM((CH,), jnp.int32),
            pltpu.VMEM((CH, D), jnp.float32),
            pltpu.VMEM((CH, D), jnp.float32),
            pltpu.SemaphoreType.DMA,
        ],
    )(_return_body)
    out = gather(ys, rank, shared)

    return out.reshape(B, S, D), aux.reshape(())

# --- scband reference (transcript-rebuilt; emitter-appended) ---
"""Pipeline reference for scband-shared-expert-mo-e-52888227283708 (READ-ONLY COPY).

The authoritative reference and input builder live on the scoring server;
editing this copy changes nothing except your own understanding.
"""

import jax, jax.numpy as jnp
import numpy as np

D_MODEL = 768
D_FFN = 1024
N_EXPERTS = 64
TOP_K = 1


def swiglu(x, w_gate, w_up, w_down):
    gate = x @ w_gate.T
    up = x @ w_up.T
    return (jax.nn.silu(gate) * up) @ w_down.T


def setup_inputs(seed: int = 0) -> dict:
    key = jax.random.key(seed)
    ks = jax.random.split(key, 8)
    s = 0.02
    x = jax.random.normal(ks[0], (1, 2048, D_MODEL), dtype=jnp.float32)
    ws_up = jax.random.normal(ks[1], (D_FFN, D_MODEL), dtype=jnp.float32) * s
    ws_gate = jax.random.normal(ks[2], (D_FFN, D_MODEL), dtype=jnp.float32) * s
    ws_down = jax.random.normal(ks[3], (D_MODEL, D_FFN), dtype=jnp.float32) * s
    we_up = jax.random.normal(ks[4], (N_EXPERTS, D_FFN, D_MODEL), dtype=jnp.float32) * s
    we_gate = jax.random.normal(ks[5], (N_EXPERTS, D_FFN, D_MODEL), dtype=jnp.float32) * s
    we_down = jax.random.normal(ks[6], (N_EXPERTS, D_MODEL, D_FFN), dtype=jnp.float32) * s
    wr = jax.random.normal(ks[7], (N_EXPERTS, D_MODEL), dtype=jnp.float32) * 0.02
    return {"x": x, "ws_up": ws_up, "ws_gate": ws_gate, "ws_down": ws_down,
            "we_up": we_up, "we_gate": we_gate, "we_down": we_down, "wr": wr}


def reference(x, ws_up, ws_gate, ws_down, we_up, we_gate, we_down, wr):
    B, S, D = x.shape
    E = wr.shape[0]
    num_tokens = B * S
    # shared expert (all tokens)
    shared = swiglu(x.reshape(-1, D), ws_gate, ws_up, ws_down).reshape(B, S, D)
    # router
    x_flat = x.reshape(-1, D)
    router_logits = x_flat @ wr.T
    routing_weights, selected_experts = jax.lax.top_k(router_logits, TOP_K)
    routing_weights = jax.nn.softmax(routing_weights.astype(jnp.float32), axis=-1).astype(x.dtype)
    # sparse dispatch (fixed-shape masked equivalent of torch index_add loop)
    rw = routing_weights
    sparse = jnp.zeros_like(x_flat)
    for i in range(E):
        mask = (selected_experts == i).astype(rw.dtype)
        w = jnp.sum(rw * mask, axis=-1)[:, None]
        out = swiglu(x_flat, we_gate[i], we_up[i], we_down[i]) * w
        sparse = sparse + out
    output = shared + sparse.reshape(B, S, D)
    # load balancing aux loss (Switch Transformer style)
    router_probs = jax.nn.softmax(router_logits.astype(jnp.float32), axis=-1)
    counts = jnp.zeros((E,), jnp.float32).at[selected_experts.reshape(-1)].add(1.0)
    frac = counts / num_tokens
    mean_prob = router_probs.mean(axis=0)
    aux_loss = E * jnp.sum(frac * mean_prob)
    return output, aux_loss

if __name__ == "__main__":
    import jax
    _d = setup_inputs()
    print(jax.jit(kernel)(*tuple(_d.values())))

</pallas_src>

<mosaic_0001>
#map = affine_map<(d0, d1) -> (0, 0)>
#map1 = affine_map<(d0, d1) -> (0)>
module attributes {stable_mosaic.version = 14 : i64} {
  func.func @_return_body(%arg0: i32, %arg1: i32, %arg2: memref<6144x768xf32, #tpu.memory_space<hbm>>, %arg3: memref<2048xi32, #tpu.memory_space<hbm>>, %arg4: memref<2048x768xf32, #tpu.memory_space<hbm>>, %arg5: memref<2048x768xf32, #tpu.memory_space<hbm>>, %arg6: memref<64xi32, #tpu.memory_space<vmem>>, %arg7: memref<64x768xf32, #tpu.memory_space<vmem>>, %arg8: memref<64x768xf32, #tpu.memory_space<vmem>>, %arg9: memref<!tpu.dma_semaphore, #tpu.memory_space<semaphore_mem>>) attributes {dimension_semantics = [#tpu.dimension_semantics<core_parallel>, #tpu.dimension_semantics<subcore_parallel>], iteration_bounds = array<i64: 2, 16>, scalar_prefetch = 0 : i64, scratch_operands = 4 : i64, tpu.core_type = #tpu.core_type<sc_vector_subcore>, window_params = [{transform_indices = #map}, {transform_indices = #map1}, {transform_indices = #map}, {transform_indices = #map}]} {
    %mul3A = arith.constant 2 : i32
    %mul3A_0 = arith.muli %arg1, %mul3A : i32
    %add3A = arith.addi %mul3A_0, %arg0 : i32
    %mul3A_1 = arith.constant 64 : i32
    %mul3A_2 = arith.muli %add3A, %mul3A_1 : i32
    "tpu.region"() ({
      %run_scoped3A = tpu.sem_alloc : memref<!tpu.dma_semaphore, #tpu.memory_space<semaphore_mem>>
      %dma_start3A_12 = tpu.memref_slice %arg3[%mul3A_2] : memref<2048xi32, #tpu.memory_space<hbm>> -> memref<64xi32, #tpu.memory_space<hbm>>
      %dma_start3A_13 = tpu.memref_slice %arg3[%mul3A_2] : memref<2048xi32, #tpu.memory_space<hbm>> -> memref<64xi32, #tpu.memory_space<hbm>>
      tpu.enqueue_dma source(%dma_start3A_13 : memref<64xi32, #tpu.memory_space<hbm>>) target(%arg6 : memref<64xi32, #tpu.memory_space<vmem>>) target_semaphore(%run_scoped3A : memref<!tpu.dma_semaphore, #tpu.memory_space<semaphore_mem>>)
      %dma_wait3A_14 = tpu.memref_slice %arg3[%mul3A_2] : memref<2048xi32, #tpu.memory_space<hbm>> -> memref<64xi32, #tpu.memory_space<hbm>>
      %dma_wait3A_15 = tpu.memref_slice %arg3[%mul3A_2] : memref<2048xi32, #tpu.memory_space<hbm>> -> memref<64xi32, #tpu.memory_space<hbm>>
      tpu.wait_dma2 semaphore(%run_scoped3A : memref<!tpu.dma_semaphore, #tpu.memory_space<semaphore_mem>>) src(%dma_wait3A_15 : memref<64xi32, #tpu.memory_space<hbm>>) dst(%arg6 : memref<64xi32, #tpu.memory_space<vmem>>)
      tpu.yield
    }) : () -> ()
    %dma_start3A = arith.constant 0 : i32
    %dma_start3A_3 = arith.constant 0 : i32
    %dma_start3A_4 = tpu.memref_slice %arg2[%dma_start3A, %dma_start3A_3] : memref<6144x768xf32, #tpu.memory_space<hbm>> -> memref<6144x768xf32, #tpu.memory_space<hbm>>
    tpu.enqueue_indirect_dma source(%dma_start3A_4 : memref<6144x768xf32, #tpu.memory_space<hbm>>) target(%arg7 : memref<64x768xf32, #tpu.memory_space<vmem>>) offsets(%arg6 : memref<64xi32, #tpu.memory_space<vmem>>) semaphore(%arg9 : memref<!tpu.dma_semaphore, #tpu.memory_space<semaphore_mem>>)
    "tpu.region"() ({
      %run_scoped3A = tpu.sem_alloc : memref<!tpu.dma_semaphore, #tpu.memory_space<semaphore_mem>>
      %dma_start3A_12 = arith.constant 0 : i32
      %dma_start3A_13 = tpu.memref_slice %arg4[%mul3A_2, %dma_start3A_12] : memref<2048x768xf32, #tpu.memory_space<hbm>> -> memref<64x768xf32, #tpu.memory_space<hbm>>
      %dma_start3A_14 = arith.constant 0 : i32
      %dma_start3A_15 = tpu.memref_slice %arg4[%mul3A_2, %dma_start3A_14] : memref<2048x768xf32, #tpu.memory_space<hbm>> -> memref<64x768xf32, #tpu.memory_space<hbm>>
      tpu.enqueue_dma source(%dma_start3A_15 : memref<64x768xf32, #tpu.memory_space<hbm>>) target(%arg8 : memref<64x768xf32, #tpu.memory_space<vmem>>) target_semaphore(%run_scoped3A : memref<!tpu.dma_semaphore, #tpu.memory_space<semaphore_mem>>)
      %dma_wait3A_16 = arith.constant 0 : i32
      %dma_wait3A_17 = tpu.memref_slice %arg4[%mul3A_2, %dma_wait3A_16] : memref<2048x768xf32, #tpu.memory_space<hbm>> -> memref<64x768xf32, #tpu.memory_space<hbm>>
      %dma_wait3A_18 = arith.constant 0 : i32
      %dma_wait3A_19 = tpu.memref_slice %arg4[%mul3A_2, %dma_wait3A_18] : memref<2048x768xf32, #tpu.memory_space<hbm>> -> memref<64x768xf32, #tpu.memory_space<hbm>>
      tpu.wait_dma2 semaphore(%run_scoped3A : memref<!tpu.dma_semaphore, #tpu.memory_space<semaphore_mem>>) src(%dma_wait3A_19 : memref<64x768xf32, #tpu.memory_space<hbm>>) dst(%arg8 : memref<64x768xf32, #tpu.memory_space<vmem>>)
      tpu.yield
    }) : () -> ()
    %dma_wait3A = arith.constant 0 : i32
    %dma_wait3A_5 = arith.constant 0 : i32
    %dma_wait3A_6 = tpu.memref_slice %arg2[%dma_wait3A, %dma_wait3A_5] : memref<6144x768xf32, #tpu.memory_space<hbm>> -> memref<6144x768xf32, #tpu.memory_space<hbm>>
    tpu.wait_indirect_dma semaphore(%arg9 : memref<!tpu.dma_semaphore, #tpu.memory_space<semaphore_mem>>) src(%dma_wait3A_6 : memref<6144x768xf32, #tpu.memory_space<hbm>>) dst(%arg7 : memref<64x768xf32, #tpu.memory_space<vmem>>)
    %scan3A = arith.constant 0 : i32
    %scan3A_7 = arith.constant 0 : i32
    %scan3A_8 = arith.constant 64 : i32
    %scan3A_9 = arith.addi %scan3A_7, %scan3A_8 : i32
    %scan3A_10 = arith.constant 1 : i32
    scf.for %scan3A_12 = %scan3A_7 to %scan3A_9 step %scan3A_10  : i32 {
      %get3A = arith.index_cast %scan3A_12 : i32 to index
      %get3A_13 = arith.constant 0 : index
      %get3A_14 = tpu.vector_load %arg7[%get3A, %get3A_13] {strides = array<i32>} : memref<64x768xf32, #tpu.memory_space<vmem>>, vector<1x16xf32>,
      %get3A_15 = vector.shape_cast %get3A_14 : vector<1x16xf32> to vector<16xf32>
      %get3A_16 = arith.index_cast %scan3A_12 : i32 to index
      %get3A_17 = arith.constant 0 : index
      %get3A_18 = tpu.vector_load %arg8[%get3A_16, %get3A_17] {strides = array<i32>} : memref<64x768xf32, #tpu.memory_space<vmem>>, vector<1x16xf32>,
      %get3A_19 = vector.shape_cast %get3A_18 : vector<1x16xf32> to vector<16xf32>
      %add3A_20 = arith.addf %get3A_15, %get3A_19 : vector<16xf32>
      %swap3A = arith.index_cast %scan3A_12 : i32 to index
      %swap3A_21 = arith.constant 0 : index
      %swap3A_22 = tpu.vector_load %arg7[%swap3A, %swap3A_21] {strides = array<i32>} : memref<64x768xf32, #tpu.memory_space<vmem>>, vector<1x16xf32>,
      %swap3A_23 = vector.shape_cast %swap3A_22 : vector<1x16xf32> to vector<16xf32>
      %swap3A_24 = vector.shape_cast %add3A_20 : vector<16xf32> to vector<1x16xf32>
      tpu.vector_store %arg7[%swap3A, %swap3A_21], %swap3A_24 {strides = array<i32>} : memref<64x768xf32, #tpu.memory_space<vmem>>, vector<1x16xf32>,
      %get3A_25 = arith.index_cast %scan3A_12 : i32 to index
      %get3A_26 = arith.constant 16 : index
      %get3A_27 = tpu.vector_load %arg7[%get3A_25, %get3A_26] {strides = array<i32>} : memref<64x768xf32, #tpu.memory_space<vmem>>, vector<1x16xf32>,
      %get3A_28 = vector.shape_cast %get3A_27 : vector<1x16xf32> to vector<16xf32>
      %get3A_29 = arith.index_cast %scan3A_12 : i32 to index
      %get3A_30 = arith.constant 16 : index
      %get3A_31 = tpu.vector_load %arg8[%get3A_29, %get3A_30] {strides = array<i32>} : memref<64x768xf32, #tpu.memory_space<vmem>>, vector<1x16xf32>,
      %get3A_32 = vector.shape_cast %get3A_31 : vector<1x16xf32> to vector<16xf32>
      %add3A_33 = arith.addf %get3A_28, %get3A_32 : vector<16xf32>
      %swap3A_34 = arith.index_cast %scan3A_12 : i32 to index
      %swap3A_35 = arith.constant 16 : index
      %swap3A_36 = tpu.vector_load %arg7[%swap3A_34, %swap3A_35] {strides = array<i32>} : memref<64x768xf32, #tpu.memory_space<vmem>>, vector<1x16xf32>,
      %swap3A_37 = vector.shape_cast %swap3A_36 : vector<1x16xf32> to vector<16xf32>
      %swap3A_38 = vector.shape_cast %add3A_33 : vector<16xf32> to vector<1x16xf32>
      tpu.vector_store %arg7[%swap3A_34, %swap3A_35], %swap3A_38 {strides = array<i32>} : memref<64x768xf32, #tpu.memory_space<vmem>>, vector<1x16xf32>,
      %get3A_39 = arith.index_cast %scan3A_12 : i32 to index
      %get3A_40 = arith.constant 32 : index
      %get3A_41 = tpu.vector_load %arg7[%get3A_39, %get3A_40] {strides = array<i32>} : memref<64x768xf32, #tpu.memory_space<vmem>>, vector<1x16xf32>,
      %get3A_42 = vector.shape_cast %get3A_41 : vector<1x16xf32> to vector<16xf32>
      %get3A_43 = arith.index_cast %scan3A_12 : i32 to index
      %get3A_44 = arith.constant 32 : index
      %get3A_45 = tpu.vector_load %arg8[%get3A_43, %get3A_44] {strides = array<i32>} : memref<64x768xf32, #tpu.memory_space<vmem>>, vector<1x16xf32>,
      %get3A_46 = vector.shape_cast %get3A_45 : vector<1x16xf32> to vector<16xf32>
      %add3A_47 = arith.addf %get3A_42, %get3A_46 : vector<16xf32>
      %swap3A_48 = arith.index_cast %scan3A_12 : i32 to index
      %swap3A_49 = arith.constant 32 : index
      %swap3A_50 = tpu.vector_load %arg7[%swap3A_48, %swap3A_49] {strides = array<i32>} : memref<64x768xf32, #tpu.memory_space<vmem>>, vector<1x16xf32>,
      %swap3A_51 = vector.shape_cast %swap3A_50 : vector<1x16xf32> to vector<16xf32>
      %swap3A_52 = vector.shape_cast %add3A_47 : vector<16xf32> to vector<1x16xf32>
      tpu.vector_store %arg7[%swap3A_48, %swap3A_49], %swap3A_52 {strides = array<i32>} : memref<64x768xf32, #tpu.memory_space<vmem>>, vector<1x16xf32>,
      %get3A_53 = arith.index_cast %scan3A_12 : i32 to index
      %get3A_54 = arith.constant 48 : index
      %get3A_55 = tpu.vector_load %arg7[%get3A_53, %get3A_54] {strides = array<i32>} : memref<64x768xf32, #tpu.memory_space<vmem>>, vector<1x16xf32>,
      %get3A_56 = vector.shape_cast %get3A_55 : vector<1x16xf32> to vector<16xf32>
      %get3A_57 = arith.index_cast %scan3A_12 : i32 to index
      %get3A_58 = arith.constant 48 : index
      %get3A_59 = tpu.vector_load %arg8[%get3A_57, %get3A_58] {strides = array<i32>} : memref<64x768xf32, #tpu.memory_space<vmem>>, vector<1x16xf32>,
      %get3A_60 = vector.shape_cast %get3A_59 : vector<1x16xf32> to vector<16xf32>
      %add3A_61 = arith.addf %get3A_56, %get3A_60 : vector<16xf32>
      %swap3A_62 = arith.index_cast %scan3A_12 : i32 to index
      %swap3A_63 = arith.constant 48 : index
      %swap3A_64 = tpu.vector_load %arg7[%swap3A_62, %swap3A_63] {strides = array<i32>} : memref<64x768xf32, #tpu.memory_space<vmem>>, vector<1x16xf32>,
      %swap3A_65 = vector.shape_cast %swap3A_64 : vector<1x16xf32> to vector<16xf32>
      %swap3A_66 = vector.shape_cast %add3A_61 : vector<16xf32> to vector<1x16xf32>
      tpu.vector_store %arg7[%swap3A_62, %swap3A_63], %swap3A_66 {strides = array<i32>} : memref<64x768xf32, #tpu.memory_space<vmem>>, vector<1x16xf32>,
      %get3A_67 = arith.index_cast %scan3A_12 : i32 to index
      %get3A_68 = arith.constant 64 : index
      %get3A_69 = tpu.vector_load %arg7[%get3A_67, %get3A_68] {strides = array<i32>} : memref<64x768xf32, #tpu.memory_space<vmem>>, vector<1x16xf32>,
      %get3A_70 = vector.shape_cast %get3A_69 : vector<1x16xf32> to vector<16xf32>
      %get3A_71 = arith.index_cast %scan3A_12 : i32 to index
      %get3A_72 = arith.constant 64 : index
      %get3A_73 = tpu.vector_load %arg8[%get3A_71, %get3A_72] {strides = array<i32>} : memref<64x768xf32, #tpu.memory_space<vmem>>, vector<1x16xf32>,
      %get3A_74 = vector.shape_cast %get3A_73 : vector<1x16xf32> to vector<16xf32>
      %add3A_75 = arith.addf %get3A_70, %get3A_74 : vector<16xf32>
      %swap3A_76 = arith.index_cast %scan3A_12 : i32 to index
      %swap3A_77 = arith.constant 64 : index
      %swap3A_78 = tpu.vector_load %arg7[%swap3A_76, %swap3A_77] {strides = array<i32>} : memref<64x768xf32, #tpu.memory_space<vmem>>, vector<1x16xf32>,
      %swap3A_79 = vector.shape_cast %swap3A_78 : vector<1x16xf32> to vector<16xf32>
      %swap3A_80 = vector.shape_cast %add3A_75 : vector<16xf32> to vector<1x16xf32>
      tpu.vector_store %arg7[%swap3A_76, %swap3A_77], %swap3A_80 {strides = array<i32>} : memref<64x768xf32, #tpu.memory_space<vmem>>, vector<1x16xf32>,
      %get3A_81 = arith.index_cast %scan3A_12 : i32 to index
      %get3A_82 = arith.constant 80 : index
      %get3A_83 = tpu.vector_load %arg7[%get3A_81, %get3A_82] {strides = array<i32>} : memref<64x768xf32, #tpu.memory_space<vmem>>, vector<1x16xf32>,
      %get3A_84 = vector.shape_cast %get3A_83 : vector<1x16xf32> to vector<16xf32>
      %get3A_85 = arith.index_cast %scan3A_12 : i32 to index
      %get3A_86 = arith.constant 80 : index
      %get3A_87 = tpu.vector_load %arg8[%get3A_85, %get3A_86] {strides = array<i32>} : memref<64x768xf32, #tpu.memory_space<vmem>>, vector<1x16xf32>,
      %get3A_88 = vector.shape_cast %get3A_87 : vector<1x16xf32> to vector<16xf32>
      %add3A_89 = arith.addf %get3A_84, %get3A_88 : vector<16xf32>
      %swap3A_90 = arith.index_cast %scan3A_12 : i32 to index
      %swap3A_91 = arith.constant 80 : index
      %swap3A_92 = tpu.vector_load %arg7[%swap3A_90, %swap3A_91] {strides = array<i32>} : memref<64x768xf32, #tpu.memory_space<vmem>>, vector<1x16xf32>,
      %swap3A_93 = vector.shape_cast %swap3A_92 : vector<1x16xf32> to vector<16xf32>
      %swap3A_94 = vector.shape_cast %add3A_89 : vector<16xf32> to vector<1x16xf32>
      tpu.vector_store %arg7[%swap3A_90, %swap3A_91], %swap3A_94 {strides = array<i32>} : memref<64x768xf32, #tpu.memory_space<vmem>>, vector<1x16xf32>,
      %get3A_95 = arith.index_cast %scan3A_12 : i32 to index
      %get3A_96 = arith.constant 96 : index
      %get3A_97 = tpu.vector_load %arg7[%get3A_95, %get3A_96] {strides = array<i32>} : memref<64x768xf32, #tpu.memory_space<vmem>>, vector<1x16xf32>,
      %get3A_98 = vector.shape_cast %get3A_97 : vector<1x16xf32> to vector<16xf32>
      %get3A_99 = arith.index_cast %scan3A_12 : i32 to index
      %get3A_100 = arith.constant 96 : index
      %get3A_101 = tpu.vector_load %arg8[%get3A_99, %get3A_100] {strides = array<i32>} : memref<64x768xf32, #tpu.memory_space<vmem>>, vector<1x16xf32>,
      %get3A_102 = vector.shape_cast %get3A_101 : vector<1x16xf32> to vector<16xf32>
      %add3A_103 = arith.addf %get3A_98, %get3A_102 : vector<16xf32>
      %swap3A_104 = arith.index_cast %scan3A_12 : i32 to index
      %swap3A_105 = arith.constant 96 : index
      %swap3A_106 = tpu.vector_load %arg7[%swap3A_104, %swap3A_105] {strides = array<i32>} : memref<64x768xf32, #tpu.memory_space<vmem>>, vector<1x16xf32>,
      %swap3A_107 = vector.shape_cast %swap3A_106 : vector<1x16xf32> to vector<16xf32>
      %swap3A_108 = vector.shape_cast %add3A_103 : vector<16xf32> to vector<1x16xf32>
      tpu.vector_store %arg7[%swap3A_104, %swap3A_105], %swap3A_108 {strides = array<i32>} : memref<64x768xf32, #tpu.memory_space<vmem>>, vector<1x16xf32>,
      %get3A_109 = arith.index_cast %scan3A_12 : i32 to index
      %get3A_110 = arith.constant 112 : index
      %get3A_111 = tpu.vector_load %arg7[%get3A_109, %get3A_110] {strides = array<i32>} : memref<64x768xf32, #tpu.memory_space<vmem>>, vector<1x16xf32>,
      %get3A_112 = vector.shape_cast %get3A_111 : vector<1x16xf32> to vector<16xf32>
      %get3A_113 = arith.index_cast %scan3A_12 : i32 to index
      %get3A_114 = arith.constant 112 : index
      %get3A_115 = tpu.vector_load %arg8[%get3A_113, %get3A_114] {strides = array<i32>} : memref<64x768xf32, #tpu.memory_space<vmem>>, vector<1x16xf32>,
      %get3A_116 = vector.shape_cast %get3A_115 : vector<1x16xf32> to vector<16xf32>
      %add3A_117 = arith.addf %get3A_112, %get3A_116 : vector<16xf32>
      %swap3A_118 = arith.index_cast %scan3A_12 : i32 to index
      %swap3A_119 = arith.constant 112 : index
      %swap3A_120 = tpu.vector_load %arg7[%swap3A_118, %swap3A_119] {strides = array<i32>} : memref<64x768xf32, #tpu.memory_space<vmem>>, vector<1x16xf32>,
      %swap3A_121 = vector.shape_cast %swap3A_120 : vector<1x16xf32> to vector<16xf32>
      %swap3A_122 = vector.shape_cast %add3A_117 : vector<16xf32> to vector<1x16xf32>
      tpu.vector_store %arg7[%swap3A_118, %swap3A_119], %swap3A_122 {strides = array<i32>} : memref<64x768xf32, #tpu.memory_space<vmem>>, vector<1x16xf32>,
      %get3A_123 = arith.index_cast %scan3A_12 : i32 to index
      %get3A_124 = arith.constant 128 : index
      %get3A_125 = tpu.vector_load %arg7[%get3A_123, %get3A_124] {strides = array<i32>} : memref<64x768xf32, #tpu.memory_space<vmem>>, vector<1x16xf32>,
      %get3A_126 = vector.shape_cast %get3A_125 : vector<1x16xf32> to vector<16xf32>
      %get3A_127 = arith.index_cast %scan3A_12 : i32 to index
      %get3A_128 = arith.constant 128 : index
      %get3A_129 = tpu.vector_load %arg8[%get3A_127, %get3A_128] {strides = array<i32>} : memref<64x768xf32, #tpu.memory_space<vmem>>, vector<1x16xf32>,
      %get3A_130 = vector.shape_cast %get3A_129 : vector<1x16xf32> to vector<16xf32>
      %add3A_131 = arith.addf %get3A_126, %get3A_130 : vector<16xf32>
      %swap3A_132 = arith.index_cast %scan3A_12 : i32 to index
      %swap3A_133 = arith.constant 128 : index
      %swap3A_134 = tpu.vector_load %arg7[%swap3A_132, %swap3A_133] {strides = array<i32>} : memref<64x768xf32, #tpu.memory_space<vmem>>, vector<1x16xf32>,
      %swap3A_135 = vector.shape_cast %swap3A_134 : vector<1x16xf32> to vector<16xf32>
      %swap3A_136 = vector.shape_cast %add3A_131 : vector<16xf32> to vector<1x16xf32>
      tpu.vector_store %arg7[%swap3A_132, %swap3A_133], %swap3A_136 {strides = array<i32>} : memref<64x768xf32, #tpu.memory_space<vmem>>, vector<1x16xf32>,
      %get3A_137 = arith.index_cast %scan3A_12 : i32 to index
      %get3A_138 = arith.constant 144 : index
      %get3A_139 = tpu.vector_load %arg7[%get3A_137, %get3A_138] {strides = array<i32>} : memref<64x768xf32, #tpu.memory_space<vmem>>, vector<1x16xf32>,
      %get3A_140 = vector.shape_cast %get3A_139 : vector<1x16xf32> to vector<16xf32>
      %get3A_141 = arith.index_cast %scan3A_12 : i32 to index
      %get3A_142 = arith.constant 144 : index
      %get3A_143 = tpu.vector_load %arg8[%get3A_141, %get3A_142] {strides = array<i32>} : memref<64x768xf32, #tpu.memory_space<vmem>>, vector<1x16xf32>,
      %get3A_144 = vector.shape_cast %get3A_143 : vector<1x16xf32> to vector<16xf32>
      %add3A_145 = arith.addf %get3A_140, %get3A_144 : vector<16xf32>
      %swap3A_146 = arith.index_cast %scan3A_12 : i32 to index
      %swap3A_147 = arith.constant 144 : index
      %swap3A_148 = tpu.vector_load %arg7[%swap3A_146, %swap3A_147] {strides = array<i32>} : memref<64x768xf32, #tpu.memory_space<vmem>>, vector<1x16xf32>,
      %swap3A_149 = vector.shape_cast %swap3A_148 : vector<1x16xf32> to vector<16xf32>
      %swap3A_150 = vector.shape_cast %add3A_145 : vector<16xf32> to vector<1x16xf32>
      tpu.vector_store %arg7[%swap3A_146, %swap3A_147], %swap3A_150 {strides = array<i32>} : memref<64x768xf32, #tpu.memory_space<vmem>>, vector<1x16xf32>,
      %get3A_151 = arith.index_cast %scan3A_12 : i32 to index
      %get3A_152 = arith.constant 160 : index
      %get3A_153 = tpu.vector_load %arg7[%get3A_151, %get3A_152] {strides = array<i32>} : memref<64x768xf32, #tpu.memory_space<vmem>>, vector<1x16xf32>,
      %get3A_154 = vector.shape_cast %get3A_153 : vector<1x16xf32> to vector<16xf32>
      %get3A_155 = arith.index_cast %scan3A_12 : i32 to index
      %get3A_156 = arith.constant 160 : index
      %get3A_157 = tpu.vector_load %arg8[%get3A_155, %get3A_156] {strides = array<i32>} : memref<64x768xf32, #tpu.memory_space<vmem>>, vector<1x16xf32>,
      %get3A_158 = vector.shape_cast %get3A_157 : vector<1x16xf32> to vector<16xf32>
      %add3A_159 = arith.addf %get3A_154, %get3A_158 : vector<16xf32>
      %swap3A_160 = arith.index_cast %scan3A_12 : i32 to index
      %swap3A_161 = arith.constant 160 : index
      %swap3A_162 = tpu.vector_load %arg7[%swap3A_160, %swap3A_161] {strides = array<i32>} : memref<64x768xf32, #tpu.memory_space<vmem>>, vector<1x16xf32>,
      %swap3A_163 = vector.shape_cast %swap3A_162 : vector<1x16xf32> to vector<16xf32>
      %swap3A_164 = vector.shape_cast %add3A_159 : vector<16xf32> to vector<1x16xf32>
      tpu.vector_store %arg7[%swap3A_160, %swap3A_161], %swap3A_164 {strides = array<i32>} : memref<64x768xf32, #tpu.memory_space<vmem>>, vector<1x16xf32>,
      %get3A_165 = arith.index_cast %scan3A_12 : i32 to index
      %get3A_166 = arith.constant 176 : index
      %get3A_167 = tpu.vector_load %arg7[%get3A_165, %get3A_166] {strides = array<i32>} : memref<64x768xf32, #tpu.memory_space<vmem>>, vector<1x16xf32>,
      %get3A_168 = vector.shape_cast %get3A_167 : vector<1x16xf32> to vector<16xf32>
      %get3A_169 = arith.index_cast %scan3A_12 : i32 to index
      %get3A_170 = arith.constant 176 : index
      %get3A_171 = tpu.vector_load %arg8[%get3A_169, %get3A_170] {strides = array<i32>} : memref<64x768xf32, #tpu.memory_space<vmem>>, vector<1x16xf32>,
      %get3A_172 = vector.shape_cast %get3A_171 : vector<1x16xf32> to vector<16xf32>
      %add3A_173 = arith.addf %get3A_168, %get3A_172 : vector<16xf32>
      %swap3A_174 = arith.index_cast %scan3A_12 : i32 to index
      %swap3A_175 = arith.constant 176 : index
      %swap3A_176 = tpu.vector_load %arg7[%swap3A_174, %swap3A_175] {strides = array<i32>} : memref<64x768xf32, #tpu.memory_space<vmem>>, vector<1x16xf32>,
      %swap3A_177 = vector.shape_cast %swap3A_176 : vector<1x16xf32> to vector<16xf32>
      %swap3A_178 = vector.shape_cast %add3A_173 : vector<16xf32> to vector<1x16xf32>
      tpu.vector_store %arg7[%swap3A_174, %swap3A_175], %swap3A_178 {strides = array<i32>} : memref<64x768xf32, #tpu.memory_space<vmem>>, vector<1x16xf32>,
      %get3A_179 = arith.index_cast %scan3A_12 : i32 to index
      %get3A_180 = arith.constant 192 : index
      %get3A_181 = tpu.vector_load %arg7[%get3A_179, %get3A_180] {strides = array<i32>} : memref<64x768xf32, #tpu.memory_space<vmem>>, vector<1x16xf32>,
      %get3A_182 = vector.shape_cast %get3A_181 : vector<1x16xf32> to vector<16xf32>
      %get3A_183 = arith.index_cast %scan3A_12 : i32 to index
      %get3A_184 = arith.constant 192 : index
      %get3A_185 = tpu.vector_load %arg8[%get3A_183, %get3A_184] {strides = array<i32>} : memref<64x768xf32, #tpu.memory_space<vmem>>, vector<1x16xf32>,
      %get3A_186 = vector.shape_cast %get3A_185 : vector<1x16xf32> to vector<16xf32>
      %add3A_187 = arith.addf %get3A_182, %get3A_186 : vector<16xf32>
      %swap3A_188 = arith.index_cast %scan3A_12 : i32 to index
      %swap3A_189 = arith.constant 192 : index
      %swap3A_190 = tpu.vector_load %arg7[%swap3A_188, %swap3A_189] {strides = array<i32>} : memref<64x768xf32, #tpu.memory_space<vmem>>, vector<1x16xf32>,
      %swap3A_191 = vector.shape_cast %swap3A_190 : vector<1x16xf32> to vector<16xf32>
      %swap3A_192 = vector.shape_cast %add3A_187 : vector<16xf32> to vector<1x16xf32>
      tpu.vector_store %arg7[%swap3A_188, %swap3A_189], %swap3A_192 {strides = array<i32>} : memref<64x768xf32, #tpu.memory_space<vmem>>, vector<1x16xf32>,
      %get3A_193 = arith.index_cast %scan3A_12 : i32 to index
      %get3A_194 = arith.constant 208 : index
      %get3A_195 = tpu.vector_load %arg7[%get3A_193, %get3A_194] {strides = array<i32>} : memref<64x768xf32, #tpu.memory_space<vmem>>, vector<1x16xf32>,
      %get3A_196 = vector.shape_cast %get3A_195 : vector<1x16xf32> to vector<16xf32>
      %get3A_197 = arith.index_cast %scan3A_12 : i32 to index
      %get3A_198 = arith.constant 208 : index
      %get3A_199 = tpu.vector_load %arg8[%get3A_197, %get3A_198] {strides = array<i32>} : memref<64x768xf32, #tpu.memory_space<vmem>>, vector<1x16xf32>,
      %get3A_200 = vector.shape_cast %get3A_199 : vector<1x16xf32> to vector<16xf32>
      %add3A_201 = arith.addf %get3A_196, %get3A_200 : vector<16xf32>
      %swap3A_202 = arith.index_cast %scan3A_12 : i32 to index
      %swap3A_203 = arith.constant 208 : index
      %swap3A_204 = tpu.vector_load %arg7[%swap3A_202, %swap3A_203] {strides = array<i32>} : memref<64x768xf32, #tpu.memory_space<vmem>>, vector<1x16xf32>,
      %swap3A_205 = vector.shape_cast %swap3A_204 : vector<1x16xf32> to vector<16xf32>
      %swap3A_206 = vector.shape_cast %add3A_201 : vector<16xf32> to vector<1x16xf32>
      tpu.vector_store %arg7[%swap3A_202, %swap3A_203], %swap3A_206 {strides = array<i32>} : memref<64x768xf32, #tpu.memory_space<vmem>>, vector<1x16xf32>,
      %get3A_207 = arith.index_cast %scan3A_12 : i32 to index
      %get3A_208 = arith.constant 224 : index
      %get3A_209 = tpu.vector_load %arg7[%get3A_207, %get3A_208] {strides = array<i32>} : memref<64x768xf32, #tpu.memory_space<vmem>>, vector<1x16xf32>,
      %get3A_210 = vector.shape_cast %get3A_209 : vector<1x16xf32> to vector<16xf32>
      %get3A_211 = arith.index_cast %scan3A_12 : i32 to index
      %get3A_212 = arith.constant 224 : index
      %get3A_213 = tpu.vector_load %arg8[%get3A_211, %get3A_212] {strides = array<i32>} : memref<64x768xf32, #tpu.memory_space<vmem>>, vector<1x16xf32>,
      %get3A_214 = vector.shape_cast %get3A_213 : vector<1x16xf32> to vector<16xf32>
      %add3A_215 = arith.addf %get3A_210, %get3A_214 : vector<16xf32>
      %swap3A_216 = arith.index_cast %scan3A_12 : i32 to index
      %swap3A_217 = arith.constant 224 : index
      %swap3A_218 = tpu.vector_load %arg7[%swap3A_216, %swap3A_217] {strides = array<i32>} : memref<64x768xf32, #tpu.memory_space<vmem>>, vector<1x16xf32>,
      %swap3A_219 = vector.shape_cast %swap3A_218 : vector<1x16xf32> to vector<16xf32>
      %swap3A_220 = vector.shape_cast %add3A_215 : vector<16xf32> to vector<1x16xf32>
      tpu.vector_store %arg7[%swap3A_216, %swap3A_217], %swap3A_220 {strides = array<i32>} : memref<64x768xf32, #tpu.memory_space<vmem>>, vector<1x16xf32>,
      %get3A_221 = arith.index_cast %scan3A_12 : i32 to index
      %get3A_222 = arith.constant 240 : index
      %get3A_223 = tpu.vector_load %arg7[%get3A_221, %get3A_222] {strides = array<i32>} : memref<64x768xf32, #tpu.memory_space<vmem>>, vector<1x16xf32>,
      %get3A_224 = vector.shape_cast %get3A_223 : vector<1x16xf32> to vector<16xf32>
      %get3A_225 = arith.index_cast %scan3A_12 : i32 to index
      %get3A_226 = arith.constant 240 : index
      %get3A_227 = tpu.vector_load %arg8[%get3A_225, %get3A_226] {strides = array<i32>} : memref<64x768xf32, #tpu.memory_space<vmem>>, vector<1x16xf32>,
      %get3A_228 = vector.shape_cast %get3A_227 : vector<1x16xf32> to vector<16xf32>
      %add3A_229 = arith.addf %get3A_224, %get3A_228 : vector<16xf32>
      %swap3A_230 = arith.index_cast %scan3A_12 : i32 to index
      %swap3A_231 = arith.constant 240 : index
      %swap3A_232 = tpu.vector_load %arg7[%swap3A_230, %swap3A_231] {strides = array<i32>} : memref<64x768xf32, #tpu.memory_space<vmem>>, vector<1x16xf32>,
      %swap3A_233 = vector.shape_cast %swap3A_232 : vector<1x16xf32> to vector<16xf32>
      %swap3A_234 = vector.shape_cast %add3A_229 : vector<16xf32> to vector<1x16xf32>
      tpu.vector_store %arg7[%swap3A_230, %swap3A_231], %swap3A_234 {strides = array<i32>} : memref<64x768xf32, #tpu.memory_space<vmem>>, vector<1x16xf32>,
      %get3A_235 = arith.index_cast %scan3A_12 : i32 to index
      %get3A_236 = arith.constant 256 : index
      %get3A_237 = tpu.vector_load %arg7[%get3A_235, %get3A_236] {strides = array<i32>} : memref<64x768xf32, #tpu.memory_space<vmem>>, vector<1x16xf32>,
      %get3A_238 = vector.shape_cast %get3A_237 : vector<1x16xf32> to vector<16xf32>
      %get3A_239 = arith.index_cast %scan3A_12 : i32 to index
      %get3A_240 = arith.constant 256 : index
      %get3A_241 = tpu.vector_load %arg8[%get3A_239, %get3A_240] {strides = array<i32>} : memref<64x768xf32, #tpu.memory_space<vmem>>, vector<1x16xf32>,
      %get3A_242 = vector.shape_cast %get3A_241 : vector<1x16xf32> to vector<16xf32>
      %add3A_243 = arith.addf %get3A_238, %get3A_242 : vector<16xf32>
      %swap3A_244 = arith.index_cast %scan3A_12 : i32 to index
      %swap3A_245 = arith.constant 256 : index
      %swap3A_246 = tpu.vector_load %arg7[%swap3A_244, %swap3A_245] {strides = array<i32>} : memref<64x768xf32, #tpu.memory_space<vmem>>, vector<1x16xf32>,
      %swap3A_247 = vector.shape_cast %swap3A_246 : vector<1x16xf32> to vector<16xf32>
      %swap3A_248 = vector.shape_cast %add3A_243 : vector<16xf32> to vector<1x16xf32>
      tpu.vector_store %arg7[%swap3A_244, %swap3A_245], %swap3A_248 {strides = array<i32>} : memref<64x768xf32, #tpu.memory_space<vmem>>, vector<1x16xf32>,
      %get3A_249 = arith.index_cast %scan3A_12 : i32 to index
      %get3A_250 = arith.constant 272 : index
      %get3A_251 = tpu.vector_load %arg7[%get3A_249, %get3A_250] {strides = array<i32>} : memref<64x768xf32, #tpu.memory_space<vmem>>, vector<1x16xf32>,
      %get3A_252 = vector.shape_cast %get3A_251 : vector<1x16xf32> to vector<16xf32>
      %get3A_253 = arith.index_cast %scan3A_12 : i32 to index
      %get3A_254 = arith.constant 272 : index
      %get3A_255 = tpu.vector_load %arg8[%get3A_253, %get3A_254] {strides = array<i32>} : memref<64x768xf32, #tpu.memory_space<vmem>>, vector<1x16xf32>,
      %get3A_256 = vector.shape_cast %get3A_255 : vector<1x16xf32> to vector<16xf32>
      %add3A_257 = arith.addf %get3A_252, %get3A_256 : vector<16xf32>
      %swap3A_258 = arith.index_cast %scan3A_12 : i32 to index
      %swap3A_259 = arith.constant 272 : index
      %swap3A_260 = tpu.vector_load %arg7[%swap3A_258, %swap3A_259] {strides = array<i32>} : memref<64x768xf32, #tpu.memory_space<vmem>>, vector<1x16xf32>,
      %swap3A_261 = vector.shape_cast %swap3A_260 : vector<1x16xf32> to vector<16xf32>
      %swap3A_262 = vector.shape_cast %add3A_257 : vector<16xf32> to vector<1x16xf32>
      tpu.vector_store %arg7[%swap3A_258, %swap3A_259], %swap3A_262 {strides = array<i32>} : memref<64x768xf32, #tpu.memory_space<vmem>>, vector<1x16xf32>,
      %get3A_263 = arith.index_cast %scan3A_12 : i32 to index
      %get3A_264 = arith.constant 288 : index
      %get3A_265 = tpu.vector_load %arg7[%get3A_263, %get3A_264] {strides = array<i32>} : memref<64x768xf32, #tpu.memory_space<vmem>>, vector<1x16xf32>,
      %get3A_266 = vector.shape_cast %get3A_265 : vector<1x16xf32> to vector<16xf32>
      %get3A_267 = arith.index_cast %scan3A_12 : i32 to index
      %get3A_268 = arith.constant 288 : index
      %get3A_269 = tpu.vector_load %arg8[%get3A_267, %get3A_268] {strides = array<i32>} : memref<64x768xf32, #tpu.memory_space<vmem>>, vector<1x16xf32>,
      %get3A_270 = vector.shape_cast %get3A_269 : vector<1x16xf32> to vector<16xf32>
      %add3A_271 = arith.addf %get3A_266, %get3A_270 : vector<16xf32>
      %swap3A_272 = arith.index_cast %scan3A_12 : i32 to index
      %swap3A_273 = arith.constant 288 : index
      %swap3A_274 = tpu.vector_load %arg7[%swap3A_272, %swap3A_273] {strides = array<i32>} : memref<64x768xf32, #tpu.memory_space<vmem>>, vector<1x16xf32>,
      %swap3A_275 = vector.shape_cast %swap3A_274 : vector<1x16xf32> to vector<16xf32>
      %swap3A_276 = vector.shape_cast %add3A_271 : vector<16xf32> to vector<1x16xf32>
      tpu.vector_store %arg7[%swap3A_272, %swap3A_273], %swap3A_276 {strides = array<i32>} : memref<64x768xf32, #tpu.memory_space<vmem>>, vector<1x16xf32>,
      %get3A_277 = arith.index_cast %scan3A_12 : i32 to index
      %get3A_278 = arith.constant 304 : index
      %get3A_279 = tpu.vector_load %arg7[%get3A_277, %get3A_278] {strides = array<i32>} : memref<64x768xf32, #tpu.memory_space<vmem>>, vector<1x16xf32>,
      %get3A_280 = vector.shape_cast %get3A_279 : vector<1x16xf32> to vector<16xf32>
      %get3A_281 = arith.index_cast %scan3A_12 : i32 to index
      %get3A_282 = arith.constant 304 : index
      %get3A_283 = tpu.vector_load %arg8[%get3A_281, %get3A_282] {strides = array<i32>} : memref<64x768xf32, #tpu.memory_space<vmem>>, vector<1x16xf32>,
      %get3A_284 = vector.shape_cast %get3A_283 : vector<1x16xf32> to vector<16xf32>
      %add3A_285 = arith.addf %get3A_280, %get3A_284 : vector<16xf32>
      %swap3A_286 = arith.index_cast %scan3A_12 : i32 to index
      %swap3A_287 = arith.constant 304 : index
      %swap3A_288 = tpu.vector_load %arg7[%swap3A_286, %swap3A_287] {strides = array<i32>} : memref<64x768xf32, #tpu.memory_space<vmem>>, vector<1x16xf32>,
      %swap3A_289 = vector.shape_cast %swap3A_288 : vector<1x16xf32> to vector<16xf32>
      %swap3A_290 = vector.shape_cast %add3A_285 : vector<16xf32> to vector<1x16xf32>
      tpu.vector_store %arg7[%swap3A_286, %swap3A_287], %swap3A_290 {strides = array<i32>} : memref<64x768xf32, #tpu.memory_space<vmem>>, vector<1x16xf32>,
      %get3A_291 = arith.index_cast %scan3A_12 : i32 to index
      %get3A_292 = arith.constant 320 : index
      %get3A_293 = tpu.vector_load %arg7[%get3A_291, %get3A_292] {strides = array<i32>} : memref<64x768xf32, #tpu.memory_space<vmem>>, vector<1x16xf32>,
      %get3A_294 = vector.shape_cast %get3A_293 : vector<1x16xf32> to vector<16xf32>
      %get3A_295 = arith.index_cast %scan3A_12 : i32 to index
      %get3A_296 = arith.constant 320 : index
      %get3A_297 = tpu.vector_load %arg8[%get3A_295, %get3A_296] {strides = array<i32>} : memref<64x768xf32, #tpu.memory_space<vmem>>, vector<1x16xf32>,
      %get3A_298 = vector.shape_cast %get3A_297 : vector<1x16xf32> to vector<16xf32>
      %add3A_299 = arith.addf %get3A_294, %get3A_298 : vector<16xf32>
      %swap3A_300 = arith.index_cast %scan3A_12 : i32 to index
      %swap3A_301 = arith.constant 320 : index
      %swap3A_302 = tpu.vector_load %arg7[%swap3A_300, %swap3A_301] {strides = array<i32>} : memref<64x768xf32, #tpu.memory_space<vmem>>, vector<1x16xf32>,
      %swap3A_303 = vector.shape_cast %swap3A_302 : vector<1x16xf32> to vector<16xf32>
      %swap3A_304 = vector.shape_cast %add3A_299 : vector<16xf32> to vector<1x16xf32>
      tpu.vector_store %arg7[%swap3A_300, %swap3A_301], %swap3A_304 {strides = array<i32>} : memref<64x768xf32, #tpu.memory_space<vmem>>, vector<1x16xf32>,
      %get3A_305 = arith.index_cast %scan3A_12 : i32 to index
      %get3A_306 = arith.constant 336 : index
      %get3A_307 = tpu.vector_load %arg7[%get3A_305, %get3A_306] {strides = array<i32>} : memref<64x768xf32, #tpu.memory_space<vmem>>, vector<1x16xf32>,
      %get3A_308 = vector.shape_cast %get3A_307 : vector<1x16xf32> to vector<16xf32>
      %get3A_309 = arith.index_cast %scan3A_12 : i32 to index
      %get3A_310 = arith.constant 336 : index
      %get3A_311 = tpu.vector_load %arg8[%get3A_309, %get3A_310] {strides = array<i32>} : memref<64x768xf32, #tpu.memory_space<vmem>>, vector<1x16xf32>,
      %get3A_312 = vector.shape_cast %get3A_311 : vector<1x16xf32> to vector<16xf32>
      %add3A_313 = arith.addf %get3A_308, %get3A_312 : vector<16xf32>
      %swap3A_314 = arith.index_cast %scan3A_12 : i32 to index
      %swap3A_315 = arith.constant 336 : index
      %swap3A_316 = tpu.vector_load %arg7[%swap3A_314, %swap3A_315] {strides = array<i32>} : memref<64x768xf32, #tpu.memory_space<vmem>>, vector<1x16xf32>,
      %swap3A_317 = vector.shape_cast %swap3A_316 : vector<1x16xf32> to vector<16xf32>
      %swap3A_318 = vector.shape_cast %add3A_313 : vector<16xf32> to vector<1x16xf32>
      tpu.vector_store %arg7[%swap3A_314, %swap3A_315], %swap3A_318 {strides = array<i32>} : memref<64x768xf32, #tpu.memory_space<vmem>>, vector<1x16xf32>,
      %get3A_319 = arith.index_cast %scan3A_12 : i32 to index
      %get3A_320 = arith.constant 352 : index
      %get3A_321 = tpu.vector_load %arg7[%get3A_319, %get3A_320] {strides = array<i32>} : memref<64x768xf32, #tpu.memory_space<vmem>>, vector<1x16xf32>,
      %get3A_322 = vector.shape_cast %get3A_321 : vector<1x16xf32> to vector<16xf32>
      %get3A_323 = arith.index_cast %scan3A_12 : i32 to index
      %get3A_324 = arith.constant 352 : index
      %get3A_325 = tpu.vector_load %arg8[%get3A_323, %get3A_324] {strides = array<i32>} : memref<64x768xf32, #tpu.memory_space<vmem>>, vector<1x16xf32>,
      %get3A_326 = vector.shape_cast %get3A_325 : vector<1x16xf32> to vector<16xf32>
      %add3A_327 = arith.addf %get3A_322, %get3A_326 : vector<16xf32>
      %swap3A_328 = arith.index_cast %scan3A_12 : i32 to index
      %swap3A_329 = arith.constant 352 : index
      %swap3A_330 = tpu.vector_load %arg7[%swap3A_328, %swap3A_329] {strides = array<i32>} : memref<64x768xf32, #tpu.memory_space<vmem>>, vector<1x16xf32>,
      %swap3A_331 = vector.shape_cast %swap3A_330 : vector<1x16xf32> to vector<16xf32>
      %swap3A_332 = vector.shape_cast %add3A_327 : vector<16xf32> to vector<1x16xf32>
      tpu.vector_store %arg7[%swap3A_328, %swap3A_329], %swap3A_332 {strides = array<i32>} : memref<64x768xf32, #tpu.memory_space<vmem>>, vector<1x16xf32>,
      %get3A_333 = arith.index_cast %scan3A_12 : i32 to index
      %get3A_334 = arith.constant 368 : index
      %get3A_335 = tpu.vector_load %arg7[%get3A_333, %get3A_334] {strides = array<i32>} : memref<64x768xf32, #tpu.memory_space<vmem>>, vector<1x16xf32>,
      %get3A_336 = vector.shape_cast %get3A_335 : vector<1x16xf32> to vector<16xf32>
      %get3A_337 = arith.index_cast %scan3A_12 : i32 to index
      %get3A_338 = arith.constant 368 : index
      %get3A_339 = tpu.vector_load %arg8[%get3A_337, %get3A_338] {strides = array<i32>} : memref<64x768xf32, #tpu.memory_space<vmem>>, vector<1x16xf32>,
      %get3A_340 = vector.shape_cast %get3A_339 : vector<1x16xf32> to vector<16xf32>
      %add3A_341 = arith.addf %get3A_336, %get3A_340 : vector<16xf32>
      %swap3A_342 = arith.index_cast %scan3A_12 : i32 to index
      %swap3A_343 = arith.constant 368 : index
      %swap3A_344 = tpu.vector_load %arg7[%swap3A_342, %swap3A_343] {strides = array<i32>} : memref<64x768xf32, #tpu.memory_space<vmem>>, vector<1x16xf32>,
      %swap3A_345 = vector.shape_cast %swap3A_344 : vector<1x16xf32> to vector<16xf32>
      %swap3A_346 = vector.shape_cast %add3A_341 : vector<16xf32> to vector<1x16xf32>
      tpu.vector_store %arg7[%swap3A_342, %swap3A_343], %swap3A_346 {strides = array<i32>} : memref<64x768xf32, #tpu.memory_space<vmem>>, vector<1x16xf32>,
      %get3A_347 = arith.index_cast %scan3A_12 : i32 to index
      %get3A_348 = arith.constant 384 : index
      %get3A_349 = tpu.vector_load %arg7[%get3A_347, %get3A_348] {strides = array<i32>} : memref<64x768xf32, #tpu.memory_space<vmem>>, vector<1x16xf32>,
      %get3A_350 = vector.shape_cast %get3A_349 : vector<1x16xf32> to vector<16xf32>
      %get3A_351 = arith.index_cast %scan3A_12 : i32 to index
      %get3A_352 = arith.constant 384 : index
      %get3A_353 = tpu.vector_load %arg8[%get3A_351, %get3A_352] {strides = array<i32>} : memref<64x768xf32, #tpu.memory_space<vmem>>, vector<1x16xf32>,
      %get3A_354 = vector.shape_cast %get3A_353 : vector<1x16xf32> to vector<16xf32>
      %add3A_355 = arith.addf %get3A_350, %get3A_354 : vector<16xf32>
      %swap3A_356 = arith.index_cast %scan3A_12 : i32 to index
      %swap3A_357 = arith.constant 384 : index
      %swap3A_358 = tpu.vector_load %arg7[%swap3A_356, %swap3A_357] {strides = array<i32>} : memref<64x768xf32, #tpu.memory_space<vmem>>, vector<1x16xf32>,
      %swap3A_359 = vector.shape_cast %swap3A_358 : vector<1x16xf32> to vector<16xf32>
      %swap3A_360 = vector.shape_cast %add3A_355 : vector<16xf32> to vector<1x16xf32>
      tpu.vector_store %arg7[%swap3A_356, %swap3A_357], %swap3A_360 {strides = array<i32>} : memref<64x768xf32, #tpu.memory_space<vmem>>, vector<1x16xf32>,
      %get3A_361 = arith.index_cast %scan3A_12 : i32 to index
      %get3A_362 = arith.constant 400 : index
      %get3A_363 = tpu.vector_load %arg7[%get3A_361, %get3A_362] {strides = array<i32>} : memref<64x768xf32, #tpu.memory_space<vmem>>, vector<1x16xf32>,
      %get3A_364 = vector.shape_cast %get3A_363 : vector<1x16xf32> to vector<16xf32>
      %get3A_365 = arith.index_cast %scan3A_12 : i32 to index
      %get3A_366 = arith.constant 400 : index
      %get3A_367 = tpu.vector_load %arg8[%get3A_365, %get3A_366] {strides = array<i32>} : memref<64x768xf32, #tpu.memory_space<vmem>>, vector<1x16xf32>,
      %get3A_368 = vector.shape_cast %get3A_367 : vector<1x16xf32> to vector<16xf32>
      %add3A_369 = arith.addf %get3A_364, %get3A_368 : vector<16xf32>
      %swap3A_370 = arith.index_cast %scan3A_12 : i32 to index
      %swap3A_371 = arith.constant 400 : index
      %swap3A_372 = tpu.vector_load %arg7[%swap3A_370, %swap3A_371] {strides = array<i32>} : memref<64x768xf32, #tpu.memory_space<vmem>>, vector<1x16xf32>,
      %swap3A_373 = vector.shape_cast %swap3A_372 : vector<1x16xf32> to vector<16xf32>
      %swap3A_374 = vector.shape_cast %add3A_369 : vector<16xf32> to vector<1x16xf32>
      tpu.vector_store %arg7[%swap3A_370, %swap3A_371], %swap3A_374 {strides = array<i32>} : memref<64x768xf32, #tpu.memory_space<vmem>>, vector<1x16xf32>,
      %get3A_375 = arith.index_cast %scan3A_12 : i32 to index
      %get3A_376 = arith.constant 416 : index
      %get3A_377 = tpu.vector_load %arg7[%get3A_375, %get3A_376] {strides = array<i32>} : memref<64x768xf32, #tpu.memory_space<vmem>>, vector<1x16xf32>,
      %get3A_378 = vector.shape_cast %get3A_377 : vector<1x16xf32> to vector<16xf32>
      %get3A_379 = arith.index_cast %scan3A_12 : i32 to index
      %get3A_380 = arith.constant 416 : index
      %get3A_381 = tpu.vector_load %arg8[%get3A_379, %get3A_380] {strides = array<i32>} : memref<64x768xf32, #tpu.memory_space<vmem>>, vector<1x16xf32>,
      %get3A_382 = vector.shape_cast %get3A_381 : vector<1x16xf32> to vector<16xf32>
      %add3A_383 = arith.addf %get3A_378, %get3A_382 : vector<16xf32>
      %swap3A_384 = arith.index_cast %scan3A_12 : i32 to index
      %swap3A_385 = arith.constant 416 : index
      %swap3A_386 = tpu.vector_load %arg7[%swap3A_384, %swap3A_385] {strides = array<i32>} : memref<64x768xf32, #tpu.memory_space<vmem>>, vector<1x16xf32>,
      %swap3A_387 = vector.shape_cast %swap3A_386 : vector<1x16xf32> to vector<16xf32>
      %swap3A_388 = vector.shape_cast %add3A_383 : vector<16xf32> to vector<1x16xf32>
      tpu.vector_store %arg7[%swap3A_384, %swap3A_385], %swap3A_388 {strides = array<i32>} : memref<64x768xf32, #tpu.memory_space<vmem>>, vector<1x16xf32>,
      %get3A_389 = arith.index_cast %scan3A_12 : i32 to index
      %get3A_390 = arith.constant 432 : index
      %get3A_391 = tpu.vector_load %arg7[%get3A_389, %get3A_390] {strides = array<i32>} : memref<64x768xf32, #tpu.memory_space<vmem>>, vector<1x16xf32>,
      %get3A_392 = vector.shape_cast %get3A_391 : vector<1x16xf32> to vector<16xf32>
      %get3A_393 = arith.index_cast %scan3A_12 : i32 to index
      %get3A_394 = arith.constant 432 : index
      %get3A_395 = tpu.vector_load %arg8[%get3A_393, %get3A_394] {strides = array<i32>} : memref<64x768xf32, #tpu.memory_space<vmem>>, vector<1x16xf32>,
      %get3A_396 = vector.shape_cast %get3A_395 : vector<1x16xf32> to vector<16xf32>
      %add3A_397 = arith.addf %get3A_392, %get3A_396 : vector<16xf32>
      %swap3A_398 = arith.index_cast %scan3A_12 : i32 to index
      %swap3A_399 = arith.constant 432 : index
      %swap3A_400 = tpu.vector_load %arg7[%swap3A_398, %swap3A_399] {strides = array<i32>} : memref<64x768xf32, #tpu.memory_space<vmem>>, vector<1x16xf32>,
      %swap3A_401 = vector.shape_cast %swap3A_400 : vector<1x16xf32> to vector<16xf32>
      %swap3A_402 = vector.shape_cast %add3A_397 : vector<16xf32> to vector<1x16xf32>
      tpu.vector_store %arg7[%swap3A_398, %swap3A_399], %swap3A_402 {strides = array<i32>} : memref<64x768xf32, #tpu.memory_space<vmem>>, vector<1x16xf32>,
      %get3A_403 = arith.index_cast %scan3A_12 : i32 to index
      %get3A_404 = arith.constant 448 : index
      %get3A_405 = tpu.vector_load %arg7[%get3A_403, %get3A_404] {strides = array<i32>} : memref<64x768xf32, #tpu.memory_space<vmem>>, vector<1x16xf32>,
      %get3A_406 = vector.shape_cast %get3A_405 : vector<1x16xf32> to vector<16xf32>
      %get3A_407 = arith.index_cast %scan3A_12 : i32 to index
      %get3A_408 = arith.constant 448 : index
      %get3A_409 = tpu.vector_load %arg8[%get3A_407, %get3A_408] {strides = array<i32>} : memref<64x768xf32, #tpu.memory_space<vmem>>, vector<1x16xf32>,
      %get3A_410 = vector.shape_cast %get3A_409 : vector<1x16xf32> to vector<16xf32>
      %add3A_411 = arith.addf %get3A_406, %get3A_410 : vector<16xf32>
      %swap3A_412 = arith.index_cast %scan3A_12 : i32 to index
      %swap3A_413 = arith.constant 448 : index
      %swap3A_414 = tpu.vector_load %arg7[%swap3A_412, %swap3A_413] {strides = array<i32>} : memref<64x768xf32, #tpu.memory_space<vmem>>, vector<1x16xf32>,
      %swap3A_415 = vector.shape_cast %swap3A_414 : vector<1x16xf32> to vector<16xf32>
      %swap3A_416 = vector.shape_cast %add3A_411 : vector<16xf32> to vector<1x16xf32>
      tpu.vector_store %arg7[%swap3A_412, %swap3A_413], %swap3A_416 {strides = array<i32>} : memref<64x768xf32, #tpu.memory_space<vmem>>, vector<1x16xf32>,
      %get3A_417 = arith.index_cast %scan3A_12 : i32 to index
      %get3A_418 = arith.constant 464 : index
      %get3A_419 = tpu.vector_load %arg7[%get3A_417, %get3A_418] {strides = array<i32>} : memref<64x768xf32, #tpu.memory_space<vmem>>, vector<1x16xf32>,
      %get3A_420 = vector.shape_cast %get3A_419 : vector<1x16xf32> to vector<16xf32>
      %get3A_421 = arith.index_cast %scan3A_12 : i32 to index
      %get3A_422 = arith.constant 464 : index
      %get3A_423 = tpu.vector_load %arg8[%get3A_421, %get3A_422] {strides = array<i32>} : memref<64x768xf32, #tpu.memory_space<vmem>>, vector<1x16xf32>,
      %get3A_424 = vector.shape_cast %get3A_423 : vector<1x16xf32> to vector<16xf32>
      %add3A_425 = arith.addf %get3A_420, %get3A_424 : vector<16xf32>
      %swap3A_426 = arith.index_cast %scan3A_12 : i32 to index
      %swap3A_427 = arith.constant 464 : index
      %swap3A_428 = tpu.vector_load %arg7[%swap3A_426, %swap3A_427] {strides = array<i32>} : memref<64x768xf32, #tpu.memory_space<vmem>>, vector<1x16xf32>,
      %swap3A_429 = vector.shape_cast %swap3A_428 : vector<1x16xf32> to vector<16xf32>
      %swap3A_430 = vector.shape_cast %add3A_425 : vector<16xf32> to vector<1x16xf32>
      tpu.vector_store %arg7[%swap3A_426, %swap3A_427], %swap3A_430 {strides = array<i32>} : memref<64x768xf32, #tpu.memory_space<vmem>>, vector<1x16xf32>,
      %get3A_431 = arith.index_cast %scan3A_12 : i32 to index
      %get3A_432 = arith.constant 480 : index
      %get3A_433 = tpu.vector_load %arg7[%get3A_431, %get3A_432] {strides = array<i32>} : memref<64x768xf32, #tpu.memory_space<vmem>>, vector<1x16xf32>,
      %get3A_434 = vector.shape_cast %get3A_433 : vector<1x16xf32> to vector<16xf32>
      %get3A_435 = arith.index_cast %scan3A_12 : i32 to index
      %get3A_436 = arith.constant 480 : index
      %get3A_437 = tpu.vector_load %arg8[%get3A_435, %get3A_436] {strides = array<i32>} : memref<64x768xf32, #tpu.memory_space<vmem>>, vector<1x16xf32>,
      %get3A_438 = vector.shape_cast %get3A_437 : vector<1x16xf32> to vector<16xf32>
      %add3A_439 = arith.addf %get3A_434, %get3A_438 : vector<16xf32>
      %swap3A_440 = arith.index_cast %scan3A_12 : i32 to index
      %swap3A_441 = arith.constant 480 : index
      %swap3A_442 = tpu.vector_load %arg7[%swap3A_440, %swap3A_441] {strides = array<i32>} : memref<64x768xf32, #tpu.memory_space<vmem>>, vector<1x16xf32>,
      %swap3A_443 = vector.shape_cast %swap3A_442 : vector<1x16xf32> to vector<16xf32>
      %swap3A_444 = vector.shape_cast %add3A_439 : vector<16xf32> to vector<1x16xf32>
      tpu.vector_store %arg7[%swap3A_440, %swap3A_441], %swap3A_444 {strides = array<i32>} : memref<64x768xf32, #tpu.memory_space<vmem>>, vector<1x16xf32>,
      %get3A_445 = arith.index_cast %scan3A_12 : i32 to index
      %get3A_446 = arith.constant 496 : index
      %get3A_447 = tpu.vector_load %arg7[%get3A_445, %get3A_446] {strides = array<i32>} : memref<64x768xf32, #tpu.memory_space<vmem>>, vector<1x16xf32>,
      %get3A_448 = vector.shape_cast %get3A_447 : vector<1x16xf32> to vector<16xf32>
      %get3A_449 = arith.index_cast %scan3A_12 : i32 to index
      %get3A_450 = arith.constant 496 : index
      %get3A_451 = tpu.vector_load %arg8[%get3A_449, %get3A_450] {strides = array<i32>} : memref<64x768xf32, #tpu.memory_space<vmem>>, vector<1x16xf32>,
      %get3A_452 = vector.shape_cast %get3A_451 : vector<1x16xf32> to vector<16xf32>
      %add3A_453 = arith.addf %get3A_448, %get3A_452 : vector<16xf32>
      %swap3A_454 = arith.index_cast %scan3A_12 : i32 to index
      %swap3A_455 = arith.constant 496 : index
      %swap3A_456 = tpu.vector_load %arg7[%swap3A_454, %swap3A_455] {strides = array<i32>} : memref<64x768xf32, #tpu.memory_space<vmem>>, vector<1x16xf32>,
      %swap3A_457 = vector.shape_cast %swap3A_456 : vector<1x16xf32> to vector<16xf32>
      %swap3A_458 = vector.shape_cast %add3A_453 : vector<16xf32> to vector<1x16xf32>
      tpu.vector_store %arg7[%swap3A_454, %swap3A_455], %swap3A_458 {strides = array<i32>} : memref<64x768xf32, #tpu.memory_space<vmem>>, vector<1x16xf32>,
      %get3A_459 = arith.index_cast %scan3A_12 : i32 to index
      %get3A_460 = arith.constant 512 : index
      %get3A_461 = tpu.vector_load %arg7[%get3A_459, %get3A_460] {strides = array<i32>} : memref<64x768xf32, #tpu.memory_space<vmem>>, vector<1x16xf32>,
      %get3A_462 = vector.shape_cast %get3A_461 : vector<1x16xf32> to vector<16xf32>
      %get3A_463 = arith.index_cast %scan3A_12 : i32 to index
      %get3A_464 = arith.constant 512 : index
      %get3A_465 = tpu.vector_load %arg8[%get3A_463, %get3A_464] {strides = array<i32>} : memref<64x768xf32, #tpu.memory_space<vmem>>, vector<1x16xf32>,
      %get3A_466 = vector.shape_cast %get3A_465 : vector<1x16xf32> to vector<16xf32>
      %add3A_467 = arith.addf %get3A_462, %get3A_466 : vector<16xf32>
      %swap3A_468 = arith.index_cast %scan3A_12 : i32 to index
      %swap3A_469 = arith.constant 512 : index
      %swap3A_470 = tpu.vector_load %arg7[%swap3A_468, %swap3A_469] {strides = array<i32>} : memref<64x768xf32, #tpu.memory_space<vmem>>, vector<1x16xf32>,
      %swap3A_471 = vector.shape_cast %swap3A_470 : vector<1x16xf32> to vector<16xf32>
      %swap3A_472 = vector.shape_cast %add3A_467 : vector<16xf32> to vector<1x16xf32>
      tpu.vector_store %arg7[%swap3A_468, %swap3A_469], %swap3A_472 {strides = array<i32>} : memref<64x768xf32, #tpu.memory_space<vmem>>, vector<1x16xf32>,
      %get3A_473 = arith.index_cast %scan3A_12 : i32 to index
      %get3A_474 = arith.constant 528 : index
      %get3A_475 = tpu.vector_load %arg7[%get3A_473, %get3A_474] {strides = array<i32>} : memref<64x768xf32, #tpu.memory_space<vmem>>, vector<1x16xf32>,
      %get3A_476 = vector.shape_cast %get3A_475 : vector<1x16xf32> to vector<16xf32>
      %get3A_477 = arith.index_cast %scan3A_12 : i32 to index
      %get3A_478 = arith.constant 528 : index
      %get3A_479 = tpu.vector_load %arg8[%get3A_477, %get3A_478] {strides = array<i32>} : memref<64x768xf32, #tpu.memory_space<vmem>>, vector<1x16xf32>,
      %get3A_480 = vector.shape_cast %get3A_479 : vector<1x16xf32> to vector<16xf32>
      %add3A_481 = arith.addf %get3A_476, %get3A_480 : vector<16xf32>
      %swap3A_482 = arith.index_cast %scan3A_12 : i32 to index
      %swap3A_483 = arith.constant 528 : index
      %swap3A_484 = tpu.vector_load %arg7[%swap3A_482, %swap3A_483] {strides = array<i32>} : memref<64x768xf32, #tpu.memory_space<vmem>>, vector<1x16xf32>,
      %swap3A_485 = vector.shape_cast %swap3A_484 : vector<1x16xf32> to vector<16xf32>
      %swap3A_486 = vector.shape_cast %add3A_481 : vector<16xf32> to vector<1x16xf32>
      tpu.vector_store %arg7[%swap3A_482, %swap3A_483], %swap3A_486 {strides = array<i32>} : memref<64x768xf32, #tpu.memory_space<vmem>>, vector<1x16xf32>,
      %get3A_487 = arith.index_cast %scan3A_12 : i32 to index
      %get3A_488 = arith.constant 544 : index
      %get3A_489 = tpu.vector_load %arg7[%get3A_487, %get3A_488] {strides = array<i32>} : memref<64x768xf32, #tpu.memory_space<vmem>>, vector<1x16xf32>,
      %get3A_490 = vector.shape_cast %get3A_489 : vector<1x16xf32> to vector<16xf32>
      %get3A_491 = arith.index_cast %scan3A_12 : i32 to index
      %get3A_492 = arith.constant 544 : index
      %get3A_493 = tpu.vector_load %arg8[%get3A_491, %get3A_492] {strides = array<i32>} : memref<64x768xf32, #tpu.memory_space<vmem>>, vector<1x16xf32>,
      %get3A_494 = vector.shape_cast %get3A_493 : vector<1x16xf32> to vector<16xf32>
      %add3A_495 = arith.addf %get3A_490, %get3A_494 : vector<16xf32>
      %swap3A_496 = arith.index_cast %scan3A_12 : i32 to index
      %swap3A_497 = arith.constant 544 : index
      %swap3A_498 = tpu.vector_load %arg7[%swap3A_496, %swap3A_497] {strides = array<i32>} : memref<64x768xf32, #tpu.memory_space<vmem>>, vector<1x16xf32>,
      %swap3A_499 = vector.shape_cast %swap3A_498 : vector<1x16xf32> to vector<16xf32>
      %swap3A_500 = vector.shape_cast %add3A_495 : vector<16xf32> to vector<1x16xf32>
      tpu.vector_store %arg7[%swap3A_496, %swap3A_497], %swap3A_500 {strides = array<i32>} : memref<64x768xf32, #tpu.memory_space<vmem>>, vector<1x16xf32>,
      %get3A_501 = arith.index_cast %scan3A_12 : i32 to index
      %get3A_502 = arith.constant 560 : index
      %get3A_503 = tpu.vector_load %arg7[%get3A_501, %get3A_502] {strides = array<i32>} : memref<64x768xf32, #tpu.memory_space<vmem>>, vector<1x16xf32>,
      %get3A_504 = vector.shape_cast %get3A_503 : vector<1x16xf32> to vector<16xf32>
      %get3A_505 = arith.index_cast %scan3A_12 : i32 to index
      %get3A_506 = arith.constant 560 : index
      %get3A_507 = tpu.vector_load %arg8[%get3A_505, %get3A_506] {strides = array<i32>} : memref<64x768xf32, #tpu.memory_space<vmem>>, vector<1x16xf32>,
      %get3A_508 = vector.shape_cast %get3A_507 : vector<1x16xf32> to vector<16xf32>
      %add3A_509 = arith.addf %get3A_504, %get3A_508 : vector<16xf32>
      %swap3A_510 = arith.index_cast %scan3A_12 : i32 to index
      %swap3A_511 = arith.constant 560 : index
      %swap3A_512 = tpu.vector_load %arg7[%swap3A_510, %swap3A_511] {strides = array<i32>} : memref<64x768xf32, #tpu.memory_space<vmem>>, vector<1x16xf32>,
      %swap3A_513 = vector.shape_cast %swap3A_512 : vector<1x16xf32> to vector<16xf32>
      %swap3A_514 = vector.shape_cast %add3A_509 : vector<16xf32> to vector<1x16xf32>
      tpu.vector_store %arg7[%swap3A_510, %swap3A_511], %swap3A_514 {strides = array<i32>} : memref<64x768xf32, #tpu.memory_space<vmem>>, vector<1x16xf32>,
      %get3A_515 = arith.index_cast %scan3A_12 : i32 to index
      %get3A_516 = arith.constant 576 : index
      %get3A_517 = tpu.vector_load %arg7[%get3A_515, %get3A_516] {strides = array<i32>} : memref<64x768xf32, #tpu.memory_space<vmem>>, vector<1x16xf32>,
      %get3A_518 = vector.shape_cast %get3A_517 : vector<1x16xf32> to vector<16xf32>
      %get3A_519 = arith.index_cast %scan3A_12 : i32 to index
      %get3A_520 = arith.constant 576 : index
      %get3A_521 = tpu.vector_load %arg8[%get3A_519, %get3A_520] {strides = array<i32>} : memref<64x768xf32, #tpu.memory_space<vmem>>, vector<1x16xf32>,
      %get3A_522 = vector.shape_cast %get3A_521 : vector<1x16xf32> to vector<16xf32>
      %add3A_523 = arith.addf %get3A_518, %get3A_522 : vector<16xf32>
      %swap3A_524 = arith.index_cast %scan3A_12 : i32 to index
      %swap3A_525 = arith.constant 576 : index
      %swap3A_526 = tpu.vector_load %arg7[%swap3A_524, %swap3A_525] {strides = array<i32>} : memref<64x768xf32, #tpu.memory_space<vmem>>, vector<1x16xf32>,
      %swap3A_527 = vector.shape_cast %swap3A_526 : vector<1x16xf32> to vector<16xf32>
      %swap3A_528 = vector.shape_cast %add3A_523 : vector<16xf32> to vector<1x16xf32>
      tpu.vector_store %arg7[%swap3A_524, %swap3A_525], %swap3A_528 {strides = array<i32>} : memref<64x768xf32, #tpu.memory_space<vmem>>, vector<1x16xf32>,
      %get3A_529 = arith.index_cast %scan3A_12 : i32 to index
      %get3A_530 = arith.constant 592 : index
      %get3A_531 = tpu.vector_load %arg7[%get3A_529, %get3A_530] {strides = array<i32>} : memref<64x768xf32, #tpu.memory_space<vmem>>, vector<1x16xf32>,
      %get3A_532 = vector.shape_cast %get3A_531 : vector<1x16xf32> to vector<16xf32>
      %get3A_533 = arith.index_cast %scan3A_12 : i32 to index
      %get3A_534 = arith.constant 592 : index
      %get3A_535 = tpu.vector_load %arg8[%get3A_533, %get3A_534] {strides = array<i32>} : memref<64x768xf32, #tpu.memory_space<vmem>>, vector<1x16xf32>,
      %get3A_536 = vector.shape_cast %get3A_535 : vector<1x16xf32> to vector<16xf32>
      %add3A_537 = arith.addf %get3A_532, %get3A_536 : vector<16xf32>
      %swap3A_538 = arith.index_cast %scan3A_12 : i32 to index
      %swap3A_539 = arith.constant 592 : index
      %swap3A_540 = tpu.vector_load %arg7[%swap3A_538, %swap3A_539] {strides = array<i32>} : memref<64x768xf32, #tpu.memory_space<vmem>>, vector<1x16xf32>,
      %swap3A_541 = vector.shape_cast %swap3A_540 : vector<1x16xf32> to vector<16xf32>
      %swap3A_542 = vector.shape_cast %add3A_537 : vector<16xf32> to vector<1x16xf32>
      tpu.vector_store %arg7[%swap3A_538, %swap3A_539], %swap3A_542 {strides = array<i32>} : memref<64x768xf32, #tpu.memory_space<vmem>>, vector<1x16xf32>,
      %get3A_543 = arith.index_cast %scan3A_12 : i32 to index
      %get3A_544 = arith.constant 608 : index
      %get3A_545 = tpu.vector_load %arg7[%get3A_543, %get3A_544] {strides = array<i32>} : memref<64x768xf32, #tpu.memory_space<vmem>>, vector<1x16xf32>,
      %get3A_546 = vector.shape_cast %get3A_545 : vector<1x16xf32> to vector<16xf32>
      %get3A_547 = arith.index_cast %scan3A_12 : i32 to index
      %get3A_548 = arith.constant 608 : index
      %get3A_549 = tpu.vector_load %arg8[%get3A_547, %get3A_548] {strides = array<i32>} : memref<64x768xf32, #tpu.memory_space<vmem>>, vector<1x16xf32>,
      %get3A_550 = vector.shape_cast %get3A_549 : vector<1x16xf32> to vector<16xf32>
      %add3A_551 = arith.addf %get3A_546, %get3A_550 : vector<16xf32>
      %swap3A_552 = arith.index_cast %scan3A_12 : i32 to index
      %swap3A_553 = arith.constant 608 : index
      %swap3A_554 = tpu.vector_load %arg7[%swap3A_552, %swap3A_553] {strides = array<i32>} : memref<64x768xf32, #tpu.memory_space<vmem>>, vector<1x16xf32>,
      %swap3A_555 = vector.shape_cast %swap3A_554 : vector<1x16xf32> to vector<16xf32>
      %swap3A_556 = vector.shape_cast %add3A_551 : vector<16xf32> to vector<1x16xf32>
      tpu.vector_store %arg7[%swap3A_552, %swap3A_553], %swap3A_556 {strides = array<i32>} : memref<64x768xf32, #tpu.memory_space<vmem>>, vector<1x16xf32>,
      %get3A_557 = arith.index_cast %scan3A_12 : i32 to index
      %get3A_558 = arith.constant 624 : index
      %get3A_559 = tpu.vector_load %arg7[%get3A_557, %get3A_558] {strides = array<i32>} : memref<64x768xf32, #tpu.memory_space<vmem>>, vector<1x16xf32>,
      %get3A_560 = vector.shape_cast %get3A_559 : vector<1x16xf32> to vector<16xf32>
      %get3A_561 = arith.index_cast %scan3A_12 : i32 to index
      %get3A_562 = arith.constant 624 : index
      %get3A_563 = tpu.vector_load %arg8[%get3A_561, %get3A_562] {strides = array<i32>} : memref<64x768xf32, #tpu.memory_space<vmem>>, vector<1x16xf32>,
      %get3A_564 = vector.shape_cast %get3A_563 : vector<1x16xf32> to vector<16xf32>
      %add3A_565 = arith.addf %get3A_560, %get3A_564 : vector<16xf32>
      %swap3A_566 = arith.index_cast %scan3A_12 : i32 to index
      %swap3A_567 = arith.constant 624 : index
      %swap3A_568 = tpu.vector_load %arg7[%swap3A_566, %swap3A_567] {strides = array<i32>} : memref<64x768xf32, #tpu.memory_space<vmem>>, vector<1x16xf32>,
      %swap3A_569 = vector.shape_cast %swap3A_568 : vector<1x16xf32> to vector<16xf32>
      %swap3A_570 = vector.shape_cast %add3A_565 : vector<16xf32> to vector<1x16xf32>
      tpu.vector_store %arg7[%swap3A_566, %swap3A_567], %swap3A_570 {strides = array<i32>} : memref<64x768xf32, #tpu.memory_space<vmem>>, vector<1x16xf32>,
      %get3A_571 = arith.index_cast %scan3A_12 : i32 to index
      %get3A_572 = arith.constant 640 : index
      %get3A_573 = tpu.vector_load %arg7[%get3A_571, %get3A_572] {strides = array<i32>} : memref<64x768xf32, #tpu.memory_space<vmem>>, vector<1x16xf32>,
      %get3A_574 = vector.shape_cast %get3A_573 : vector<1x16xf32> to vector<16xf32>
      %get3A_575 = arith.index_cast %scan3A_12 : i32 to index
      %get3A_576 = arith.constant 640 : index
      %get3A_577 = tpu.vector_load %arg8[%get3A_575, %get3A_576] {strides = array<i32>} : memref<64x768xf32, #tpu.memory_space<vmem>>, vector<1x16xf32>,
      %get3A_578 = vector.shape_cast %get3A_577 : vector<1x16xf32> to vector<16xf32>
      %add3A_579 = arith.addf %get3A_574, %get3A_578 : vector<16xf32>
      %swap3A_580 = arith.index_cast %scan3A_12 : i32 to index
      %swap3A_581 = arith.constant 640 : index
      %swap3A_582 = tpu.vector_load %arg7[%swap3A_580, %swap3A_581] {strides = array<i32>} : memref<64x768xf32, #tpu.memory_space<vmem>>, vector<1x16xf32>,
      %swap3A_583 = vector.shape_cast %swap3A_582 : vector<1x16xf32> to vector<16xf32>
      %swap3A_584 = vector.shape_cast %add3A_579 : vector<16xf32> to vector<1x16xf32>
      tpu.vector_store %arg7[%swap3A_580, %swap3A_581], %swap3A_584 {strides = array<i32>} : memref<64x768xf32, #tpu.memory_space<vmem>>, vector<1x16xf32>,
      %get3A_585 = arith.index_cast %scan3A_12 : i32 to index
      %get3A_586 = arith.constant 656 : index
      %get3A_587 = tpu.vector_load %arg7[%get3A_585, %get3A_586] {strides = array<i32>} : memref<64x768xf32, #tpu.memory_space<vmem>>, vector<1x16xf32>,
      %get3A_588 = vector.shape_cast %get3A_587 : vector<1x16xf32> to vector<16xf32>
      %get3A_589 = arith.index_cast %scan3A_12 : i32 to index
      %get3A_590 = arith.constant 656 : index
      %get3A_591 = tpu.vector_load %arg8[%get3A_589, %get3A_590] {strides = array<i32>} : memref<64x768xf32, #tpu.memory_space<vmem>>, vector<1x16xf32>,
      %get3A_592 = vector.shape_cast %get3A_591 : vector<1x16xf32> to vector<16xf32>
      %add3A_593 = arith.addf %get3A_588, %get3A_592 : vector<16xf32>
      %swap3A_594 = arith.index_cast %scan3A_12 : i32 to index
      %swap3A_595 = arith.constant 656 : index
      %swap3A_596 = tpu.vector_load %arg7[%swap3A_594, %swap3A_595] {strides = array<i32>} : memref<64x768xf32, #tpu.memory_space<vmem>>, vector<1x16xf32>,
      %swap3A_597 = vector.shape_cast %swap3A_596 : vector<1x16xf32> to vector<16xf32>
      %swap3A_598 = vector.shape_cast %add3A_593 : vector<16xf32> to vector<1x16xf32>
      tpu.vector_store %arg7[%swap3A_594, %swap3A_595], %swap3A_598 {strides = array<i32>} : memref<64x768xf32, #tpu.memory_space<vmem>>, vector<1x16xf32>,
      %get3A_599 = arith.index_cast %scan3A_12 : i32 to index
      %get3A_600 = arith.constant 672 : index
      %get3A_601 = tpu.vector_load %arg7[%get3A_599, %get3A_600] {strides = array<i32>} : memref<64x768xf32, #tpu.memory_space<vmem>>, vector<1x16xf32>,
      %get3A_602 = vector.shape_cast %get3A_601 : vector<1x16xf32> to vector<16xf32>
      %get3A_603 = arith.index_cast %scan3A_12 : i32 to index
      %get3A_604 = arith.constant 672 : index
      %get3A_605 = tpu.vector_load %arg8[%get3A_603, %get3A_604] {strides = array<i32>} : memref<64x768xf32, #tpu.memory_space<vmem>>, vector<1x16xf32>,
      %get3A_606 = vector.shape_cast %get3A_605 : vector<1x16xf32> to vector<16xf32>
      %add3A_607 = arith.addf %get3A_602, %get3A_606 : vector<16xf32>
      %swap3A_608 = arith.index_cast %scan3A_12 : i32 to index
      %swap3A_609 = arith.constant 672 : index
      %swap3A_610 = tpu.vector_load %arg7[%swap3A_608, %swap3A_609] {strides = array<i32>} : memref<64x768xf32, #tpu.memory_space<vmem>>, vector<1x16xf32>,
      %swap3A_611 = vector.shape_cast %swap3A_610 : vector<1x16xf32> to vector<16xf32>
      %swap3A_612 = vector.shape_cast %add3A_607 : vector<16xf32> to vector<1x16xf32>
      tpu.vector_store %arg7[%swap3A_608, %swap3A_609], %swap3A_612 {strides = array<i32>} : memref<64x768xf32, #tpu.memory_space<vmem>>, vector<1x16xf32>,
      %get3A_613 = arith.index_cast %scan3A_12 : i32 to index
      %get3A_614 = arith.constant 688 : index
      %get3A_615 = tpu.vector_load %arg7[%get3A_613, %get3A_614] {strides = array<i32>} : memref<64x768xf32, #tpu.memory_space<vmem>>, vector<1x16xf32>,
      %get3A_616 = vector.shape_cast %get3A_615 : vector<1x16xf32> to vector<16xf32>
      %get3A_617 = arith.index_cast %scan3A_12 : i32 to index
      %get3A_618 = arith.constant 688 : index
      %get3A_619 = tpu.vector_load %arg8[%get3A_617, %get3A_618] {strides = array<i32>} : memref<64x768xf32, #tpu.memory_space<vmem>>, vector<1x16xf32>,
      %get3A_620 = vector.shape_cast %get3A_619 : vector<1x16xf32> to vector<16xf32>
      %add3A_621 = arith.addf %get3A_616, %get3A_620 : vector<16xf32>
      %swap3A_622 = arith.index_cast %scan3A_12 : i32 to index
      %swap3A_623 = arith.constant 688 : index
      %swap3A_624 = tpu.vector_load %arg7[%swap3A_622, %swap3A_623] {strides = array<i32>} : memref<64x768xf32, #tpu.memory_space<vmem>>, vector<1x16xf32>,
      %swap3A_625 = vector.shape_cast %swap3A_624 : vector<1x16xf32> to vector<16xf32>
      %swap3A_626 = vector.shape_cast %add3A_621 : vector<16xf32> to vector<1x16xf32>
      tpu.vector_store %arg7[%swap3A_622, %swap3A_623], %swap3A_626 {strides = array<i32>} : memref<64x768xf32, #tpu.memory_space<vmem>>, vector<1x16xf32>,
      %get3A_627 = arith.index_cast %scan3A_12 : i32 to index
      %get3A_628 = arith.constant 704 : index
      %get3A_629 = tpu.vector_load %arg7[%get3A_627, %get3A_628] {strides = array<i32>} : memref<64x768xf32, #tpu.memory_space<vmem>>, vector<1x16xf32>,
      %get3A_630 = vector.shape_cast %get3A_629 : vector<1x16xf32> to vector<16xf32>
      %get3A_631 = arith.index_cast %scan3A_12 : i32 to index
      %get3A_632 = arith.constant 704 : index
      %get3A_633 = tpu.vector_load %arg8[%get3A_631, %get3A_632] {strides = array<i32>} : memref<64x768xf32, #tpu.memory_space<vmem>>, vector<1x16xf32>,
      %get3A_634 = vector.shape_cast %get3A_633 : vector<1x16xf32> to vector<16xf32>
      %add3A_635 = arith.addf %get3A_630, %get3A_634 : vector<16xf32>
      %swap3A_636 = arith.index_cast %scan3A_12 : i32 to index
      %swap3A_637 = arith.constant 704 : index
      %swap3A_638 = tpu.vector_load %arg7[%swap3A_636, %swap3A_637] {strides = array<i32>} : memref<64x768xf32, #tpu.memory_space<vmem>>, vector<1x16xf32>,
      %swap3A_639 = vector.shape_cast %swap3A_638 : vector<1x16xf32> to vector<16xf32>
      %swap3A_640 = vector.shape_cast %add3A_635 : vector<16xf32> to vector<1x16xf32>
      tpu.vector_store %arg7[%swap3A_636, %swap3A_637], %swap3A_640 {strides = array<i32>} : memref<64x768xf32, #tpu.memory_space<vmem>>, vector<1x16xf32>,
      %get3A_641 = arith.index_cast %scan3A_12 : i32 to index
      %get3A_642 = arith.constant 720 : index
      %get3A_643 = tpu.vector_load %arg7[%get3A_641, %get3A_642] {strides = array<i32>} : memref<64x768xf32, #tpu.memory_space<vmem>>, vector<1x16xf32>,
      %get3A_644 = vector.shape_cast %get3A_643 : vector<1x16xf32> to vector<16xf32>
      %get3A_645 = arith.index_cast %scan3A_12 : i32 to index
      %get3A_646 = arith.constant 720 : index
      %get3A_647 = tpu.vector_load %arg8[%get3A_645, %get3A_646] {strides = array<i32>} : memref<64x768xf32, #tpu.memory_space<vmem>>, vector<1x16xf32>,
      %get3A_648 = vector.shape_cast %get3A_647 : vector<1x16xf32> to vector<16xf32>
      %add3A_649 = arith.addf %get3A_644, %get3A_648 : vector<16xf32>
      %swap3A_650 = arith.index_cast %scan3A_12 : i32 to index
      %swap3A_651 = arith.constant 720 : index
      %swap3A_652 = tpu.vector_load %arg7[%swap3A_650, %swap3A_651] {strides = array<i32>} : memref<64x768xf32, #tpu.memory_space<vmem>>, vector<1x16xf32>,
      %swap3A_653 = vector.shape_cast %swap3A_652 : vector<1x16xf32> to vector<16xf32>
      %swap3A_654 = vector.shape_cast %add3A_649 : vector<16xf32> to vector<1x16xf32>
      tpu.vector_store %arg7[%swap3A_650, %swap3A_651], %swap3A_654 {strides = array<i32>} : memref<64x768xf32, #tpu.memory_space<vmem>>, vector<1x16xf32>,
      %get3A_655 = arith.index_cast %scan3A_12 : i32 to index
      %get3A_656 = arith.constant 736 : index
      %get3A_657 = tpu.vector_load %arg7[%get3A_655, %get3A_656] {strides = array<i32>} : memref<64x768xf32, #tpu.memory_space<vmem>>, vector<1x16xf32>,
      %get3A_658 = vector.shape_cast %get3A_657 : vector<1x16xf32> to vector<16xf32>
      %get3A_659 = arith.index_cast %scan3A_12 : i32 to index
      %get3A_660 = arith.constant 736 : index
      %get3A_661 = tpu.vector_load %arg8[%get3A_659, %get3A_660] {strides = array<i32>} : memref<64x768xf32, #tpu.memory_space<vmem>>, vector<1x16xf32>,
      %get3A_662 = vector.shape_cast %get3A_661 : vector<1x16xf32> to vector<16xf32>
      %add3A_663 = arith.addf %get3A_658, %get3A_662 : vector<16xf32>
      %swap3A_664 = arith.index_cast %scan3A_12 : i32 to index
      %swap3A_665 = arith.constant 736 : index
      %swap3A_666 = tpu.vector_load %arg7[%swap3A_664, %swap3A_665] {strides = array<i32>} : memref<64x768xf32, #tpu.memory_space<vmem>>, vector<1x16xf32>,
      %swap3A_667 = vector.shape_cast %swap3A_666 : vector<1x16xf32> to vector<16xf32>
      %swap3A_668 = vector.shape_cast %add3A_663 : vector<16xf32> to vector<1x16xf32>
      tpu.vector_store %arg7[%swap3A_664, %swap3A_665], %swap3A_668 {strides = array<i32>} : memref<64x768xf32, #tpu.memory_space<vmem>>, vector<1x16xf32>,
      %get3A_669 = arith.index_cast %scan3A_12 : i32 to index
      %get3A_670 = arith.constant 752 : index
      %get3A_671 = tpu.vector_load %arg7[%get3A_669, %get3A_670] {strides = array<i32>} : memref<64x768xf32, #tpu.memory_space<vmem>>, vector<1x16xf32>,
      %get3A_672 = vector.shape_cast %get3A_671 : vector<1x16xf32> to vector<16xf32>
      %get3A_673 = arith.index_cast %scan3A_12 : i32 to index
      %get3A_674 = arith.constant 752 : index
      %get3A_675 = tpu.vector_load %arg8[%get3A_673, %get3A_674] {strides = array<i32>} : memref<64x768xf32, #tpu.memory_space<vmem>>, vector<1x16xf32>,
      %get3A_676 = vector.shape_cast %get3A_675 : vector<1x16xf32> to vector<16xf32>
      %add3A_677 = arith.addf %get3A_672, %get3A_676 : vector<16xf32>
      %swap3A_678 = arith.index_cast %scan3A_12 : i32 to index
      %swap3A_679 = arith.constant 752 : index
      %swap3A_680 = tpu.vector_load %arg7[%swap3A_678, %swap3A_679] {strides = array<i32>} : memref<64x768xf32, #tpu.memory_space<vmem>>, vector<1x16xf32>,
      %swap3A_681 = vector.shape_cast %swap3A_680 : vector<1x16xf32> to vector<16xf32>
      %swap3A_682 = vector.shape_cast %add3A_677 : vector<16xf32> to vector<1x16xf32>
      tpu.vector_store %arg7[%swap3A_678, %swap3A_679], %swap3A_682 {strides = array<i32>} : memref<64x768xf32, #tpu.memory_space<vmem>>, vector<1x16xf32>,
    }
    %scan3A_11 = arith.constant 64 : i32
    "tpu.region"() ({
      %run_scoped3A = tpu.sem_alloc : memref<!tpu.dma_semaphore, #tpu.memory_space<semaphore_mem>>
      %dma_start3A_12 = arith.constant 0 : i32
      %dma_start3A_13 = tpu.memref_slice %arg5[%mul3A_2, %dma_start3A_12] : memref<2048x768xf32, #tpu.memory_space<hbm>> -> memref<64x768xf32, #tpu.memory_space<hbm>>
      %dma_start3A_14 = arith.constant 0 : i32
      %dma_start3A_15 = tpu.memref_slice %arg5[%mul3A_2, %dma_start3A_14] : memref<2048x768xf32, #tpu.memory_space<hbm>> -> memref<64x768xf32, #tpu.memory_space<hbm>>
      tpu.enqueue_dma source(%arg7 : memref<64x768xf32, #tpu.memory_space<vmem>>) target(%dma_start3A_15 : memref<64x768xf32, #tpu.memory_space<hbm>>) target_semaphore(%run_scoped3A : memref<!tpu.dma_semaphore, #tpu.memory_space<semaphore_mem>>)
      %dma_wait3A_16 = arith.constant 0 : i32
      %dma_wait3A_17 = tpu.memref_slice %arg5[%mul3A_2, %dma_wait3A_16] : memref<2048x768xf32, #tpu.memory_space<hbm>> -> memref<64x768xf32, #tpu.memory_space<hbm>>
      %dma_wait3A_18 = arith.constant 0 : i32
      %dma_wait3A_19 = tpu.memref_slice %arg5[%mul3A_2, %dma_wait3A_18] : memref<2048x768xf32, #tpu.memory_space<hbm>> -> memref<64x768xf32, #tpu.memory_space<hbm>>
      tpu.wait_dma2 semaphore(%run_scoped3A : memref<!tpu.dma_semaphore, #tpu.memory_space<semaphore_mem>>) src(%arg7 : memref<64x768xf32, #tpu.memory_space<vmem>>) dst(%dma_wait3A_19 : memref<64x768xf32, #tpu.memory_space<hbm>>)
      tpu.yield
    }) : () -> ()
    return
  }
}

#map = affine_map<(d0, d1) -> (0, 0)>
#map1 = affine_map<(d0, d1) -> (0)>
module attributes {stable_mosaic.version = 14 : i64} {
  func.func @_dispatch_body(%arg0: i32, %arg1: i32, %arg2: memref<2048x768xf32, #tpu.memory_space<hbm>>, %arg3: memref<2048xi32, #tpu.memory_space<hbm>>, %arg4: memref<6144x768xf32, #tpu.memory_space<hbm>>, %arg5: memref<64xi32, #tpu.memory_space<vmem>>, %arg6: memref<64x768xf32, #tpu.memory_space<vmem>>, %arg7: memref<!tpu.dma_semaphore, #tpu.memory_space<semaphore_mem>>) attributes {dimension_semantics = [#tpu.dimension_semantics<core_parallel>, #tpu.dimension_semantics<subcore_parallel>], iteration_bounds = array<i64: 2, 16>, scalar_prefetch = 0 : i64, scratch_operands = 3 : i64, tpu.core_type = #tpu.core_type<sc_vector_subcore>, window_params = [{transform_indices = #map}, {transform_indices = #map1}, {transform_indices = #map}]} {
    %mul3A = arith.constant 2 : i32
    %mul3A_0 = arith.muli %arg1, %mul3A : i32
    %add3A = arith.addi %mul3A_0, %arg0 : i32
    %mul3A_1 = arith.constant 64 : i32
    %mul3A_2 = arith.muli %add3A, %mul3A_1 : i32
    "tpu.region"() ({
      %run_scoped3A = tpu.sem_alloc : memref<!tpu.dma_semaphore, #tpu.memory_space<semaphore_mem>>
      %dma_start3A_7 = tpu.memref_slice %arg3[%mul3A_2] : memref<2048xi32, #tpu.memory_space<hbm>> -> memref<64xi32, #tpu.memory_space<hbm>>
      %dma_start3A_8 = tpu.memref_slice %arg3[%mul3A_2] : memref<2048xi32, #tpu.memory_space<hbm>> -> memref<64xi32, #tpu.memory_space<hbm>>
      tpu.enqueue_dma source(%dma_start3A_8 : memref<64xi32, #tpu.memory_space<hbm>>) target(%arg5 : memref<64xi32, #tpu.memory_space<vmem>>) target_semaphore(%run_scoped3A : memref<!tpu.dma_semaphore, #tpu.memory_space<semaphore_mem>>)
      %dma_wait3A_9 = tpu.memref_slice %arg3[%mul3A_2] : memref<2048xi32, #tpu.memory_space<hbm>> -> memref<64xi32, #tpu.memory_space<hbm>>
      %dma_wait3A_10 = tpu.memref_slice %arg3[%mul3A_2] : memref<2048xi32, #tpu.memory_space<hbm>> -> memref<64xi32, #tpu.memory_space<hbm>>
      tpu.wait_dma2 semaphore(%run_scoped3A : memref<!tpu.dma_semaphore, #tpu.memory_space<semaphore_mem>>) src(%dma_wait3A_10 : memref<64xi32, #tpu.memory_space<hbm>>) dst(%arg5 : memref<64xi32, #tpu.memory_space<vmem>>)
      tpu.yield
    }) : () -> ()
    "tpu.region"() ({
      %run_scoped3A = tpu.sem_alloc : memref<!tpu.dma_semaphore, #tpu.memory_space<semaphore_mem>>
      %dma_start3A_7 = arith.constant 0 : i32
      %dma_start3A_8 = tpu.memref_slice %arg2[%mul3A_2, %dma_start3A_7] : memref<2048x768xf32, #tpu.memory_space<hbm>> -> memref<64x768xf32, #tpu.memory_space<hbm>>
      %dma_start3A_9 = arith.constant 0 : i32
      %dma_start3A_10 = tpu.memref_slice %arg2[%mul3A_2, %dma_start3A_9] : memref<2048x768xf32, #tpu.memory_space<hbm>> -> memref<64x768xf32, #tpu.memory_space<hbm>>
      tpu.enqueue_dma source(%dma_start3A_10 : memref<64x768xf32, #tpu.memory_space<hbm>>) target(%arg6 : memref<64x768xf32, #tpu.memory_space<vmem>>) target_semaphore(%run_scoped3A : memref<!tpu.dma_semaphore, #tpu.memory_space<semaphore_mem>>)
      %dma_wait3A_11 = arith.constant 0 : i32
      %dma_wait3A_12 = tpu.memref_slice %arg2[%mul3A_2, %dma_wait3A_11] : memref<2048x768xf32, #tpu.memory_space<hbm>> -> memref<64x768xf32, #tpu.memory_space<hbm>>
      %dma_wait3A_13 = arith.constant 0 : i32
      %dma_wait3A_14 = tpu.memref_slice %arg2[%mul3A_2, %dma_wait3A_13] : memref<2048x768xf32, #tpu.memory_space<hbm>> -> memref<64x768xf32, #tpu.memory_space<hbm>>
      tpu.wait_dma2 semaphore(%run_scoped3A : memref<!tpu.dma_semaphore, #tpu.memory_space<semaphore_mem>>) src(%dma_wait3A_14 : memref<64x768xf32, #tpu.memory_space<hbm>>) dst(%arg6 : memref<64x768xf32, #tpu.memory_space<vmem>>)
      tpu.yield
    }) : () -> ()
    %dma_start3A = arith.constant 0 : i32
    %dma_start3A_3 = arith.constant 0 : i32
    %dma_start3A_4 = tpu.memref_slice %arg4[%dma_start3A, %dma_start3A_3] : memref<6144x768xf32, #tpu.memory_space<hbm>> -> memref<6144x768xf32, #tpu.memory_space<hbm>>
    tpu.enqueue_indirect_dma source(%arg6 : memref<64x768xf32, #tpu.memory_space<vmem>>) target(%dma_start3A_4 : memref<6144x768xf32, #tpu.memory_space<hbm>>) offsets(%arg5 : memref<64xi32, #tpu.memory_space<vmem>>) semaphore(%arg7 : memref<!tpu.dma_semaphore, #tpu.memory_space<semaphore_mem>>)
    %dma_wait3A = arith.constant 0 : i32
    %dma_wait3A_5 = arith.constant 0 : i32
    %dma_wait3A_6 = tpu.memref_slice %arg4[%dma_wait3A, %dma_wait3A_5] : memref<6144x768xf32, #tpu.memory_space<hbm>> -> memref<6144x768xf32, #tpu.memory_space<hbm>>
    tpu.wait_indirect_dma semaphore(%arg7 : memref<!tpu.dma_semaphore, #tpu.memory_space<semaphore_mem>>) src(%arg6 : memref<64x768xf32, #tpu.memory_space<vmem>>) dst(%dma_wait3A_6 : memref<6144x768xf32, #tpu.memory_space<hbm>>)
    return
  }
}

module attributes {stable_mosaic.version = 14 : i64} {
  func.func @_router_body(%arg0: memref<2048x768xf32, #tpu.memory_space<vmem>>, %arg1: memref<64x768xf32, #tpu.memory_space<vmem>>, %arg2: memref<2048x1xi32, #tpu.memory_space<vmem>>, %arg3: memref<97x1xi32, #tpu.memory_space<vmem>>, %arg4: memref<1x1xf32, #tpu.memory_space<vmem>>) attributes {dimension_semantics = [], scalar_prefetch = 0 : i64, scratch_operands = 0 : i64, tpu.core_type = #tpu.core_type<tc>} {
    %get3A = arith.constant 0 : index
    %get3A_0 = arith.constant 0 : index
    %get3A_1 = vector.load %arg0[%get3A, %get3A_0] : memref<2048x768xf32, #tpu.memory_space<vmem>>, vector<2048x768xf32>
    %get3A_2 = arith.constant 0 : index
    %get3A_3 = arith.constant 0 : index
    %get3A_4 = vector.load %arg1[%get3A_2, %get3A_3] : memref<64x768xf32, #tpu.memory_space<vmem>>, vector<64x768xf32>
    %dot_general3A = arith.constant dense<0.000000e+00> : vector<2048x64xf32>
    %dot_general3A_5 = tpu.matmul %get3A_1, %get3A_4, %dot_general3A {dimension_numbers = #tpu.dot_dimension_numbers<[1], [1], [0], [0], [0, 0, 1, 0], [], []>, transpose_lhs_hint = false} : vector<2048x768xf32>, vector<64x768xf32>, vector<2048x64xf32> -> vector<2048x64xf32>
    %reduce_max3A = arith.constant dense<0xFF800000> : vector<2048xf32>
    %reduce_max3A_6 = vector.multi_reduction <maximumf>, %dot_general3A_5, %reduce_max3A [1] : vector<2048x64xf32> to vector<2048xf32>
    %broadcast_in_dim3A = vector.shape_cast %reduce_max3A_6 : vector<2048xf32> to vector<2048x1xf32>
    %iota3A = tpu.iota {dimensions = array<i32: 1>} : vector<2048x64xi32>
    %eq3A = vector.broadcast %broadcast_in_dim3A : vector<2048x1xf32> to vector<2048x64xf32>
    %eq3A_7 = arith.cmpf oeq, %dot_general3A_5, %eq3A : vector<2048x64xf32>
    %jit3A = arith.constant 64 : i32
    %broadcast_in_dim3A_8 = vector.broadcast %jit3A : i32 to vector<2048x64xi32>
    %select_n3A = arith.select %eq3A_7, %iota3A, %broadcast_in_dim3A_8 : vector<2048x64xi1>, vector<2048x64xi32>
    %reduce_min3A = arith.constant dense<2147483647> : vector<2048xi32>
    %reduce_min3A_9 = vector.multi_reduction <minsi>, %select_n3A, %reduce_min3A [1] : vector<2048x64xi32> to vector<2048xi32>
    %broadcast_in_dim3A_10 = vector.shape_cast %reduce_min3A_9 : vector<2048xi32> to vector<2048x1xi32>
    %eq3A_11 = vector.broadcast %broadcast_in_dim3A_10 : vector<2048x1xi32> to vector<2048x64xi32>
    %eq3A_12 = arith.cmpi eq, %iota3A, %eq3A_11 : vector<2048x64xi32>
    %convert_element_type3A = arith.extui %eq3A_12 : vector<2048x64xi1> to vector<2048x64xi32>
    %convert_element_type3A_13 = arith.sitofp %convert_element_type3A : vector<2048x64xi32> to vector<2048x64xf32>
    %reduce_sum3A = arith.constant dense<0.000000e+00> : vector<64xf32>
    %reduce_sum3A_14 = vector.multi_reduction <add>, %convert_element_type3A_13, %reduce_sum3A [0] : vector<2048x64xf32> to vector<64xf32>
    %broadcast_in_dim3A_15 = vector.shape_cast %reduce_sum3A_14 : vector<64xf32> to vector<1x64xf32>
    %add3A = arith.constant 6.300000e+01 : f32
    %add3A_16 = vector.broadcast %add3A : f32 to vector<1x64xf32>
    %add3A_17 = arith.addf %broadcast_in_dim3A_15, %add3A_16 : vector<1x64xf32>
    %mul3A = arith.constant 1.562500e-02 : f32
    %mul3A_18 = vector.broadcast %mul3A : f32 to vector<1x64xf32>
    %mul3A_19 = arith.mulf %add3A_17, %mul3A_18 : vector<1x64xf32>
    %floor3A = math.floor %mul3A_19 : vector<1x64xf32>
    %broadcast_in_dim3A_20 = arith.constant 0.000000e+00 : f32
    %broadcast_in_dim3A_21 = vector.broadcast %broadcast_in_dim3A_20 : f32 to vector<1x1xf32>
    %slice3A = vector.extract_strided_slice %floor3A {offsets = [0, 0], sizes = [1, 63], strides = [1, 1]} : vector<1x64xf32> to vector<1x63xf32>
    %concatenate3A = tpu.concatenate %broadcast_in_dim3A_21, %slice3A in 1 : vector<1x1xf32>, vector<1x63xf32> -> vector<1x64xf32>
    %add3A_22 = arith.addf %floor3A, %concatenate3A : vector<1x64xf32>
    %broadcast_in_dim3A_23 = arith.constant 0.000000e+00 : f32
    %broadcast_in_dim3A_24 = vector.broadcast %broadcast_in_dim3A_23 : f32 to vector<1x2xf32>
    %slice3A_25 = vector.extract_strided_slice %add3A_22 {offsets = [0, 0], sizes = [1, 62], strides = [1, 1]} : vector<1x64xf32> to vector<1x62xf32>
    %concatenate3A_26 = tpu.concatenate %broadcast_in_dim3A_24, %slice3A_25 in 1 : vector<1x2xf32>, vector<1x62xf32> -> vector<1x64xf32>
    %add3A_27 = arith.addf %add3A_22, %concatenate3A_26 : vector<1x64xf32>
    %broadcast_in_dim3A_28 = arith.constant 0.000000e+00 : f32
    %broadcast_in_dim3A_29 = vector.broadcast %broadcast_in_dim3A_28 : f32 to vector<1x4xf32>
    %slice3A_30 = vector.extract_strided_slice %add3A_27 {offsets = [0, 0], sizes = [1, 60], strides = [1, 1]} : vector<1x64xf32> to vector<1x60xf32>
    %concatenate3A_31 = tpu.concatenate %broadcast_in_dim3A_29, %slice3A_30 in 1 : vector<1x4xf32>, vector<1x60xf32> -> vector<1x64xf32>
    %add3A_32 = arith.addf %add3A_27, %concatenate3A_31 : vector<1x64xf32>
    %broadcast_in_dim3A_33 = arith.constant 0.000000e+00 : f32
    %broadcast_in_dim3A_34 = vector.broadcast %broadcast_in_dim3A_33 : f32 to vector<1x8xf32>
    %slice3A_35 = vector.extract_strided_slice %add3A_32 {offsets = [0, 0], sizes = [1, 56], strides = [1, 1]} : vector<1x64xf32> to vector<1x56xf32>
    %concatenate3A_36 = tpu.concatenate %broadcast_in_dim3A_34, %slice3A_35 in 1 : vector<1x8xf32>, vector<1x56xf32> -> vector<1x64xf32>
    %add3A_37 = arith.addf %add3A_32, %concatenate3A_36 : vector<1x64xf32>
    %broadcast_in_dim3A_38 = arith.constant 0.000000e+00 : f32
    %broadcast_in_dim3A_39 = vector.broadcast %broadcast_in_dim3A_38 : f32 to vector<1x16xf32>
    %slice3A_40 = vector.extract_strided_slice %add3A_37 {offsets = [0, 0], sizes = [1, 48], strides = [1, 1]} : vector<1x64xf32> to vector<1x48xf32>
    %concatenate3A_41 = tpu.concatenate %broadcast_in_dim3A_39, %slice3A_40 in 1 : vector<1x16xf32>, vector<1x48xf32> -> vector<1x64xf32>
    %add3A_42 = arith.addf %add3A_37, %concatenate3A_41 : vector<1x64xf32>
    %broadcast_in_dim3A_43 = arith.constant 0.000000e+00 : f32
    %broadcast_in_dim3A_44 = vector.broadcast %broadcast_in_dim3A_43 : f32 to vector<1x32xf32>
    %slice3A_45 = vector.extract_strided_slice %add3A_42 {offsets = [0, 0], sizes = [1, 32], strides = [1, 1]} : vector<1x64xf32> to vector<1x32xf32>
    %concatenate3A_46 = tpu.concatenate %broadcast_in_dim3A_44, %slice3A_45 in 1 : vector<1x32xf32>, vector<1x32xf32> -> vector<1x64xf32>
    %add3A_47 = arith.addf %add3A_42, %concatenate3A_46 : vector<1x64xf32>
    %sub3A = arith.subf %add3A_47, %floor3A : vector<1x64xf32>
    %mul3A_48 = arith.constant 6.400000e+01 : f32
    %mul3A_49 = vector.broadcast %mul3A_48 : f32 to vector<1x64xf32>
    %mul3A_50 = arith.mulf %sub3A, %mul3A_49 : vector<1x64xf32>
    %slice3A_51 = vector.extract_strided_slice %add3A_47 {offsets = [0, 63], sizes = [1, 1], strides = [1, 1]} : vector<1x64xf32> to vector<1x1xf32>
    %broadcast_in_dim3A_52 = arith.constant 0.000000e+00 : f32
    %broadcast_in_dim3A_53 = vector.broadcast %broadcast_in_dim3A_52 : f32 to vector<1x64xf32>
    %slice3A_54 = vector.extract_strided_slice %convert_element_type3A_13 {offsets = [0, 0], sizes = [2047, 64], strides = [1, 1]} : vector<2048x64xf32> to vector<2047x64xf32>
    %concatenate3A_55 = tpu.concatenate %broadcast_in_dim3A_53, %slice3A_54 in 0 : vector<1x64xf32>, vector<2047x64xf32> -> vector<2048x64xf32>
    %add3A_56 = arith.addf %convert_element_type3A_13, %concatenate3A_55 : vector<2048x64xf32>
    %broadcast_in_dim3A_57 = arith.constant 0.000000e+00 : f32
    %broadcast_in_dim3A_58 = vector.broadcast %broadcast_in_dim3A_57 : f32 to vector<2x64xf32>
    %slice3A_59 = vector.extract_strided_slice %add3A_56 {offsets = [0, 0], sizes = [2046, 64], strides = [1, 1]} : vector<2048x64xf32> to vector<2046x64xf32>
    %concatenate3A_60 = tpu.concatenate %broadcast_in_dim3A_58, %slice3A_59 in 0 : vector<2x64xf32>, vector<2046x64xf32> -> vector<2048x64xf32>
    %add3A_61 = arith.addf %add3A_56, %concatenate3A_60 : vector<2048x64xf32>
    %broadcast_in_dim3A_62 = arith.constant 0.000000e+00 : f32
    %broadcast_in_dim3A_63 = vector.broadcast %broadcast_in_dim3A_62 : f32 to vector<4x64xf32>
    %slice3A_64 = vector.extract_strided_slice %add3A_61 {offsets = [0, 0], sizes = [2044, 64], strides = [1, 1]} : vector<2048x64xf32> to vector<2044x64xf32>
    %concatenate3A_65 = tpu.concatenate %broadcast_in_dim3A_63, %slice3A_64 in 0 : vector<4x64xf32>, vector<2044x64xf32> -> vector<2048x64xf32>
    %add3A_66 = arith.addf %add3A_61, %concatenate3A_65 : vector<2048x64xf32>
    %broadcast_in_dim3A_67 = arith.constant 0.000000e+00 : f32
    %broadcast_in_dim3A_68 = vector.broadcast %broadcast_in_dim3A_67 : f32 to vector<8x64xf32>
    %slice3A_69 = vector.extract_strided_slice %add3A_66 {offsets = [0, 0], sizes = [2040, 64], strides = [1, 1]} : vector<2048x64xf32> to vector<2040x64xf32>
    %concatenate3A_70 = tpu.concatenate %broadcast_in_dim3A_68, %slice3A_69 in 0 : vector<8x64xf32>, vector<2040x64xf32> -> vector<2048x64xf32>
    %add3A_71 = arith.addf %add3A_66, %concatenate3A_70 : vector<2048x64xf32>
    %broadcast_in_dim3A_72 = arith.constant 0.000000e+00 : f32
    %broadcast_in_dim3A_73 = vector.broadcast %broadcast_in_dim3A_72 : f32 to vector<16x64xf32>
    %slice3A_74 = vector.extract_strided_slice %add3A_71 {offsets = [0, 0], sizes = [2032, 64], strides = [1, 1]} : vector<2048x64xf32> to vector<2032x64xf32>
    %concatenate3A_75 = tpu.concatenate %broadcast_in_dim3A_73, %slice3A_74 in 0 : vector<16x64xf32>, vector<2032x64xf32> -> vector<2048x64xf32>
    %add3A_76 = arith.addf %add3A_71, %concatenate3A_75 : vector<2048x64xf32>
    %broadcast_in_dim3A_77 = arith.constant 0.000000e+00 : f32
    %broadcast_in_dim3A_78 = vector.broadcast %broadcast_in_dim3A_77 : f32 to vector<32x64xf32>
    %slice3A_79 = vector.extract_strided_slice %add3A_76 {offsets = [0, 0], sizes = [2016, 64], strides = [1, 1]} : vector<2048x64xf32> to vector<2016x64xf32>
    %concatenate3A_80 = tpu.concatenate %broadcast_in_dim3A_78, %slice3A_79 in 0 : vector<32x64xf32>, vector<2016x64xf32> -> vector<2048x64xf32>
    %add3A_81 = arith.addf %add3A_76, %concatenate3A_80 : vector<2048x64xf32>
    %broadcast_in_dim3A_82 = arith.constant 0.000000e+00 : f32
    %broadcast_in_dim3A_83 = vector.broadcast %broadcast_in_dim3A_82 : f32 to vector<64x64xf32>
    %slice3A_84 = vector.extract_strided_slice %add3A_81 {offsets = [0, 0], sizes = [1984, 64], strides = [1, 1]} : vector<2048x64xf32> to vector<1984x64xf32>
    %concatenate3A_85 = tpu.concatenate %broadcast_in_dim3A_83, %slice3A_84 in 0 : vector<64x64xf32>, vector<1984x64xf32> -> vector<2048x64xf32>
    %add3A_86 = arith.addf %add3A_81, %concatenate3A_85 : vector<2048x64xf32>
    %broadcast_in_dim3A_87 = arith.constant 0.000000e+00 : f32
    %broadcast_in_dim3A_88 = vector.broadcast %broadcast_in_dim3A_87 : f32 to vector<128x64xf32>
    %slice3A_89 = vector.extract_strided_slice %add3A_86 {offsets = [0, 0], sizes = [1920, 64], strides = [1, 1]} : vector<2048x64xf32> to vector<1920x64xf32>
    %concatenate3A_90 = tpu.concatenate %broadcast_in_dim3A_88, %slice3A_89 in 0 : vector<128x64xf32>, vector<1920x64xf32> -> vector<2048x64xf32>
    %add3A_91 = arith.addf %add3A_86, %concatenate3A_90 : vector<2048x64xf32>
    %broadcast_in_dim3A_92 = arith.constant 0.000000e+00 : f32
    %broadcast_in_dim3A_93 = vector.broadcast %broadcast_in_dim3A_92 : f32 to vector<256x64xf32>
    %slice3A_94 = vector.extract_strided_slice %add3A_91 {offsets = [0, 0], sizes = [1792, 64], strides = [1, 1]} : vector<2048x64xf32> to vector<1792x64xf32>
    %concatenate3A_95 = tpu.concatenate %broadcast_in_dim3A_93, %slice3A_94 in 0 : vector<256x64xf32>, vector<1792x64xf32> -> vector<2048x64xf32>
    %add3A_96 = arith.addf %add3A_91, %concatenate3A_95 : vector<2048x64xf32>
    %broadcast_in_dim3A_97 = arith.constant 0.000000e+00 : f32
    %broadcast_in_dim3A_98 = vector.broadcast %broadcast_in_dim3A_97 : f32 to vector<512x64xf32>
    %slice3A_99 = vector.extract_strided_slice %add3A_96 {offsets = [0, 0], sizes = [1536, 64], strides = [1, 1]} : vector<2048x64xf32> to vector<1536x64xf32>
    %concatenate3A_100 = tpu.concatenate %broadcast_in_dim3A_98, %slice3A_99 in 0 : vector<512x64xf32>, vector<1536x64xf32> -> vector<2048x64xf32>
    %add3A_101 = arith.addf %add3A_96, %concatenate3A_100 : vector<2048x64xf32>
    %broadcast_in_dim3A_102 = arith.constant 0.000000e+00 : f32
    %broadcast_in_dim3A_103 = vector.broadcast %broadcast_in_dim3A_102 : f32 to vector<1024x64xf32>
    %slice3A_104 = vector.extract_strided_slice %add3A_101 {offsets = [0, 0], sizes = [1024, 64], strides = [1, 1]} : vector<2048x64xf32> to vector<1024x64xf32>
    %concatenate3A_105 = tpu.concatenate %broadcast_in_dim3A_103, %slice3A_104 in 0 : vector<1024x64xf32>, vector<1024x64xf32> -> vector<2048x64xf32>
    %add3A_106 = arith.addf %add3A_101, %concatenate3A_105 : vector<2048x64xf32>
    %add3A_107 = vector.broadcast %mul3A_50 : vector<1x64xf32> to vector<2048x64xf32>
    %add3A_108 = arith.addf %add3A_107, %add3A_106 : vector<2048x64xf32>
    %sub3A_109 = arith.constant 1.000000e+00 : f32
    %sub3A_110 = vector.broadcast %sub3A_109 : f32 to vector<2048x64xf32>
    %sub3A_111 = arith.subf %add3A_108, %sub3A_110 : vector<2048x64xf32>
    %mul3A_112 = arith.mulf %convert_element_type3A_13, %sub3A_111 : vector<2048x64xf32>
    %reduce_sum3A_113 = arith.constant dense<0.000000e+00> : vector<2048xf32>
    %reduce_sum3A_114 = vector.multi_reduction <add>, %mul3A_112, %reduce_sum3A_113 [1] : vector<2048x64xf32> to vector<2048xf32>
    %broadcast_in_dim3A_115 = vector.shape_cast %reduce_sum3A_114 : vector<2048xf32> to vector<2048x1xf32>
    %convert_element_type3A_116 = arith.fptosi %broadcast_in_dim3A_115 : vector<2048x1xf32> to vector<2048x1xi32>
    %swap3A = arith.constant 0 : index
    %swap3A_117 = arith.constant 0 : index
    %swap3A_118 = vector.load %arg2[%swap3A, %swap3A_117] : memref<2048x1xi32, #tpu.memory_space<vmem>>, vector<2048x1xi32>
    tpu.vector_store %arg2[%swap3A, %swap3A_117], %convert_element_type3A_116 {strides = array<i32>} : memref<2048x1xi32, #tpu.memory_space<vmem>>, vector<2048x1xi32>,
    %iota3A_119 = tpu.iota {dimensions = array<i32: 0>} : vector<96x64xi32>
    %convert_element_type3A_120 = arith.sitofp %iota3A_119 : vector<96x64xi32> to vector<96x64xf32>
    %iota3A_121 = tpu.iota {dimensions = array<i32: 1>} : vector<96x64xi32>
    %convert_element_type3A_122 = arith.sitofp %iota3A_121 : vector<96x64xi32> to vector<96x64xf32>
    %ge3A = vector.broadcast %sub3A : vector<1x64xf32> to vector<96x64xf32>
    %ge3A_123 = arith.cmpf oge, %convert_element_type3A_120, %ge3A : vector<96x64xf32>
    %add3A_124 = arith.addf %sub3A, %floor3A : vector<1x64xf32>
    %lt3A = vector.broadcast %add3A_124 : vector<1x64xf32> to vector<96x64xf32>
    %lt3A_125 = arith.cmpf olt, %convert_element_type3A_120, %lt3A : vector<96x64xf32>
    %and3A = arith.andi %ge3A_123, %lt3A_125 : vector<96x64xi1>
    %convert_element_type3A_126 = arith.extui %and3A : vector<96x64xi1> to vector<96x64xi32>
    %convert_element_type3A_127 = arith.sitofp %convert_element_type3A_126 : vector<96x64xi32> to vector<96x64xf32>
    %mul3A_128 = arith.mulf %convert_element_type3A_122, %convert_element_type3A_127 : vector<96x64xf32>
    %reduce_sum3A_129 = arith.constant dense<0.000000e+00> : vector<96xf32>
    %reduce_sum3A_130 = vector.multi_reduction <add>, %mul3A_128, %reduce_sum3A_129 [1] : vector<96x64xf32> to vector<96xf32>
    %broadcast_in_dim3A_131 = vector.shape_cast %reduce_sum3A_130 : vector<96xf32> to vector<96x1xf32>
    %reduce_sum3A_132 = arith.constant dense<0.000000e+00> : vector<96xf32>
    %reduce_sum3A_133 = vector.multi_reduction <add>, %convert_element_type3A_127, %reduce_sum3A_132 [1] : vector<96x64xf32> to vector<96xf32>
    %broadcast_in_dim3A_134 = vector.shape_cast %reduce_sum3A_133 : vector<96xf32> to vector<96x1xf32>
    %iota3A_135 = tpu.iota {dimensions = array<i32: 1>} : vector<1x64xi32>
    %convert_element_type3A_136 = arith.sitofp %iota3A_135 : vector<1x64xi32> to vector<1x64xf32>
    %gt3A = arith.constant 0.000000e+00 : f32
    %gt3A_137 = vector.broadcast %gt3A : f32 to vector<1x64xf32>
    %gt3A_138 = arith.cmpf ogt, %floor3A, %gt3A_137 : vector<1x64xf32>
    %convert_element_type3A_139 = arith.extui %gt3A_138 : vector<1x64xi1> to vector<1x64xi32>
    %convert_element_type3A_140 = arith.sitofp %convert_element_type3A_139 : vector<1x64xi32> to vector<1x64xf32>
    %mul3A_141 = arith.mulf %convert_element_type3A_136, %convert_element_type3A_140 : vector<1x64xf32>
    %reduce_max3A_142 = arith.constant dense<0xFF800000> : vector<1xf32>
    %reduce_max3A_143 = vector.multi_reduction <maximumf>, %mul3A_141, %reduce_max3A_142 [1] : vector<1x64xf32> to vector<1xf32>
    %broadcast_in_dim3A_144 = vector.shape_cast %reduce_max3A_143 : vector<1xf32> to vector<1x1xf32>
    %sub3A_145 = arith.constant 1.000000e+00 : f32
    %sub3A_146 = vector.broadcast %sub3A_145 : f32 to vector<96x1xf32>
    %sub3A_147 = arith.subf %sub3A_146, %broadcast_in_dim3A_134 : vector<96x1xf32>
    %mul3A_148 = vector.broadcast %broadcast_in_dim3A_144 : vector<1x1xf32> to vector<96x1xf32>
    %mul3A_149 = arith.mulf %sub3A_147, %mul3A_148 : vector<96x1xf32>
    %add3A_150 = arith.addf %broadcast_in_dim3A_131, %mul3A_149 : vector<96x1xf32>
    %concatenate3A_151 = tpu.concatenate %add3A_150, %slice3A_51 in 0 : vector<96x1xf32>, vector<1x1xf32> -> vector<97x1xf32>
    %convert_element_type3A_152 = arith.fptosi %concatenate3A_151 : vector<97x1xf32> to vector<97x1xi32>
    %swap3A_153 = arith.constant 0 : index
    %swap3A_154 = arith.constant 0 : index
    %swap3A_155 = vector.load %arg3[%swap3A_153, %swap3A_154] : memref<97x1xi32, #tpu.memory_space<vmem>>, vector<97x1xi32>
    tpu.vector_store %arg3[%swap3A_153, %swap3A_154], %convert_element_type3A_152 {strides = array<i32>} : memref<97x1xi32, #tpu.memory_space<vmem>>, vector<97x1xi32>,
    %sub3A_156 = vector.broadcast %broadcast_in_dim3A : vector<2048x1xf32> to vector<2048x64xf32>
    %sub3A_157 = arith.subf %dot_general3A_5, %sub3A_156 : vector<2048x64xf32>
    %exp3A = math.exp %sub3A_157 : vector<2048x64xf32>
    %reduce_sum3A_158 = arith.constant dense<0.000000e+00> : vector<2048xf32>
    %reduce_sum3A_159 = vector.multi_reduction <add>, %exp3A, %reduce_sum3A_158 [1] : vector<2048x64xf32> to vector<2048xf32>
    %broadcast_in_dim3A_160 = vector.shape_cast %reduce_sum3A_159 : vector<2048xf32> to vector<2048x1xf32>
    %div3A = vector.broadcast %broadcast_in_dim3A_160 : vector<2048x1xf32> to vector<2048x64xf32>
    %div3A_161 = arith.divf %exp3A, %div3A : vector<2048x64xf32>
    %reduce_sum3A_162 = arith.constant dense<0.000000e+00> : vector<64xf32>
    %reduce_sum3A_163 = vector.multi_reduction <add>, %div3A_161, %reduce_sum3A_162 [0] : vector<2048x64xf32> to vector<64xf32>
    %broadcast_in_dim3A_164 = vector.shape_cast %reduce_sum3A_163 : vector<64xf32> to vector<1x64xf32>
    %mul3A_165 = arith.constant 4.8828125E-4 : f32
    %mul3A_166 = vector.broadcast %mul3A_165 : f32 to vector<1x64xf32>
    %mul3A_167 = arith.mulf %broadcast_in_dim3A_164, %mul3A_166 : vector<1x64xf32>
    %mul3A_168 = arith.constant 4.8828125E-4 : f32
    %mul3A_169 = vector.broadcast %mul3A_168 : f32 to vector<1x64xf32>
    %mul3A_170 = arith.mulf %broadcast_in_dim3A_15, %mul3A_169 : vector<1x64xf32>
    %mul3A_171 = arith.mulf %mul3A_170, %mul3A_167 : vector<1x64xf32>
    %reduce_sum3A_172 = arith.constant dense<0.000000e+00> : vector<1xf32>
    %reduce_sum3A_173 = vector.multi_reduction <add>, %mul3A_171, %reduce_sum3A_172 [1] : vector<1x64xf32> to vector<1xf32>
    %broadcast_in_dim3A_174 = vector.shape_cast %reduce_sum3A_173 : vector<1xf32> to vector<1x1xf32>
    %mul3A_175 = arith.constant 6.400000e+01 : f32
    %mul3A_176 = vector.broadcast %mul3A_175 : f32 to vector<1x1xf32>
    %mul3A_177 = arith.mulf %mul3A_176, %broadcast_in_dim3A_174 : vector<1x1xf32>
    %swap3A_178 = arith.constant 0 : index
    %swap3A_179 = arith.constant 0 : index
    %swap3A_180 = vector.load %arg4[%swap3A_178, %swap3A_179] : memref<1x1xf32, #tpu.memory_space<vmem>>, vector<1x1xf32>
    tpu.vector_store %arg4[%swap3A_178, %swap3A_179], %mul3A_177 {strides = array<i32>} : memref<1x1xf32, #tpu.memory_space<vmem>>, vector<1x1xf32>,
    return
  }
}

module attributes {stable_mosaic.version = 14 : i64} {
  func.func @_shared_body(%arg0: i32, %arg1: memref<512x768xf32, #tpu.memory_space<vmem>>, %arg2: memref<1024x768xf32, #tpu.memory_space<vmem>>, %arg3: memref<1024x768xf32, #tpu.memory_space<vmem>>, %arg4: memref<768x1024xf32, #tpu.memory_space<vmem>>, %arg5: memref<512x768xf32, #tpu.memory_space<vmem>>) attributes {dimension_semantics = [#tpu.dimension_semantics<arbitrary>], iteration_bounds = array<i64: 4>, scalar_prefetch = 0 : i64, scratch_operands = 0 : i64, tpu.core_type = #tpu.core_type<tc>, window_params = [{transform_indices = @transform_0, window_bounds = array<i64: 512, 768>}, {pipeline_mode = #tpu.pipeline_mode<synchronous>, transform_indices = @transform_1, window_bounds = array<i64: 1024, 768>}, {pipeline_mode = #tpu.pipeline_mode<synchronous>, transform_indices = @transform_2, window_bounds = array<i64: 1024, 768>}, {pipeline_mode = #tpu.pipeline_mode<synchronous>, transform_indices = @transform_3, window_bounds = array<i64: 768, 1024>}, {transform_indices = @transform_4, window_bounds = array<i64: 512, 768>}]} {
    %get3A = arith.constant 0 : index
    %get3A_0 = arith.constant 0 : index
    %get3A_1 = vector.load %arg1[%get3A, %get3A_0] : memref<512x768xf32, #tpu.memory_space<vmem>>, vector<512x768xf32>
    %get3A_2 = arith.constant 0 : index
    %get3A_3 = arith.constant 0 : index
    %get3A_4 = vector.load %arg2[%get3A_2, %get3A_3] : memref<1024x768xf32, #tpu.memory_space<vmem>>, vector<1024x768xf32>
    %get3A_5 = arith.constant 0 : index
    %get3A_6 = arith.constant 0 : index
    %get3A_7 = vector.load %arg3[%get3A_5, %get3A_6] : memref<1024x768xf32, #tpu.memory_space<vmem>>, vector<1024x768xf32>
    %get3A_8 = arith.constant 0 : index
    %get3A_9 = arith.constant 0 : index
    %get3A_10 = vector.load %arg4[%get3A_8, %get3A_9] : memref<768x1024xf32, #tpu.memory_space<vmem>>, vector<768x1024xf32>
    %dot_general3A = arith.constant dense<0.000000e+00> : vector<512x1024xf32>
    %dot_general3A_11 = tpu.matmul %get3A_1, %get3A_4, %dot_general3A {dimension_numbers = #tpu.dot_dimension_numbers<[1], [1], [0], [0], [0, 0, 1, 0], [], []>, transpose_lhs_hint = false} : vector<512x768xf32>, vector<1024x768xf32>, vector<512x1024xf32> -> vector<512x1024xf32>
    %dot_general3A_12 = arith.constant dense<0.000000e+00> : vector<512x1024xf32>
    %dot_general3A_13 = tpu.matmul %get3A_1, %get3A_7, %dot_general3A_12 {dimension_numbers = #tpu.dot_dimension_numbers<[1], [1], [0], [0], [0, 0, 1, 0], [], []>, transpose_lhs_hint = false} : vector<512x768xf32>, vector<1024x768xf32>, vector<512x1024xf32> -> vector<512x1024xf32>
    %logistic3A = arith.negf %dot_general3A_11 : vector<512x1024xf32>
    %logistic3A_14 = math.exp %logistic3A : vector<512x1024xf32>
    %logistic3A_15 = arith.constant 1.000000e+00 : f32
    %logistic3A_16 = vector.broadcast %logistic3A_15 : f32 to vector<512x1024xf32>
    %logistic3A_17 = arith.addf %logistic3A_16, %logistic3A_14 : vector<512x1024xf32>
    %logistic3A_18 = arith.divf %logistic3A_16, %logistic3A_17 : vector<512x1024xf32>
    %mul3A = arith.mulf %dot_general3A_11, %logistic3A_18 : vector<512x1024xf32>
    %mul3A_19 = arith.mulf %mul3A, %dot_general3A_13 : vector<512x1024xf32>
    %dot_general3A_20 = arith.constant dense<0.000000e+00> : vector<512x768xf32>
    %dot_general3A_21 = tpu.matmul %mul3A_19, %get3A_10, %dot_general3A_20 {dimension_numbers = #tpu.dot_dimension_numbers<[1], [1], [0], [0], [0, 0, 1, 0], [], []>, transpose_lhs_hint = false} : vector<512x1024xf32>, vector<768x1024xf32>, vector<512x768xf32> -> vector<512x768xf32>
    %swap3A = arith.constant 0 : index
    %swap3A_22 = arith.constant 0 : index
    %swap3A_23 = vector.load %arg5[%swap3A, %swap3A_22] : memref<512x768xf32, #tpu.memory_space<vmem>>, vector<512x768xf32>
    tpu.vector_store %arg5[%swap3A, %swap3A_22], %dot_general3A_21 {strides = array<i32>} : memref<512x768xf32, #tpu.memory_space<vmem>>, vector<512x768xf32>,
    return
  }
  func.func @transform_0(%arg0: i32) -> (i32, i32) {
    %c0_i32 = arith.constant 0 : i32
    %c0_i32_0 = arith.constant 0 : i32
    return %arg0, %c0_i32 : i32, i32
  }
  func.func @transform_1(%arg0: i32) -> (i32, i32) {
    %c0_i32 = arith.constant 0 : i32
    %c0_i32_0 = arith.constant 0 : i32
    %c0_i32_1 = arith.constant 0 : i32
    return %c0_i32, %c0_i32_0 : i32, i32
  }
  func.func @transform_2(%arg0: i32) -> (i32, i32) {
    %c0_i32 = arith.constant 0 : i32
    %c0_i32_0 = arith.constant 0 : i32
    %c0_i32_1 = arith.constant 0 : i32
    return %c0_i32, %c0_i32_0 : i32, i32
  }
  func.func @transform_3(%arg0: i32) -> (i32, i32) {
    %c0_i32 = arith.constant 0 : i32
    %c0_i32_0 = arith.constant 0 : i32
    %c0_i32_1 = arith.constant 0 : i32
    return %c0_i32, %c0_i32_0 : i32, i32
  }
  func.func @transform_4(%arg0: i32) -> (i32, i32) {
    %c0_i32 = arith.constant 0 : i32
    %c0_i32_0 = arith.constant 0 : i32
    return %arg0, %c0_i32 : i32, i32
  }
}

module attributes {stable_mosaic.version = 14 : i64} {
  func.func @_moe_body(%arg0: i32, %arg1: memref<97xi32, #tpu.memory_space<smem>>, %arg2: memref<64x768xf32, #tpu.memory_space<vmem>>, %arg3: memref<1x1024x768xf32, #tpu.memory_space<vmem>>, %arg4: memref<1x1024x768xf32, #tpu.memory_space<vmem>>, %arg5: memref<1x768x1024xf32, #tpu.memory_space<vmem>>, %arg6: memref<64x768xf32, #tpu.memory_space<vmem>>) attributes {dimension_semantics = [#tpu.dimension_semantics<arbitrary>], iteration_bounds = array<i64: 96>, scalar_prefetch = 1 : i64, scratch_operands = 0 : i64, tpu.core_type = #tpu.core_type<tc>, window_params = [{transform_indices = @transform_0, window_bounds = array<i64: 64, 768>}, {transform_indices = @transform_1, window_bounds = array<i64: 1, 1024, 768>}, {transform_indices = @transform_2, window_bounds = array<i64: 1, 1024, 768>}, {transform_indices = @transform_3, window_bounds = array<i64: 1, 768, 1024>}, {transform_indices = @transform_4, window_bounds = array<i64: 64, 768>}]} {
    %get3A = arith.constant 96 : index
    %get3A_0 = memref.load %arg1[%get3A] : memref<97xi32, #tpu.memory_space<smem>>
    %lt3A = arith.cmpi slt, %arg0, %get3A_0 : i32
    %convert_element_type3A = arith.extui %lt3A : i1 to i32
    %cond3A = arith.constant 0 : i32
    %cond3A_1 = arith.cmpi ne, %convert_element_type3A, %cond3A : i32
    scf.if %cond3A_1 {
      %get3A_2 = arith.constant 0 : index
      %get3A_3 = arith.constant 0 : index
      %get3A_4 = vector.load %arg2[%get3A_2, %get3A_3] : memref<64x768xf32, #tpu.memory_space<vmem>>, vector<64x768xf32>
      %get3A_5 = arith.constant 0 : index
      %get3A_6 = arith.constant 0 : index
      %get3A_7 = arith.constant 0 : index
      %get3A_8 = vector.load %arg3[%get3A_5, %get3A_6, %get3A_7] : memref<1x1024x768xf32, #tpu.memory_space<vmem>>, vector<1x1024x768xf32>
      %get3A_9 = vector.shape_cast %get3A_8 : vector<1x1024x768xf32> to vector<1024x768xf32>
      %get3A_10 = arith.constant 0 : index
      %get3A_11 = arith.constant 0 : index
      %get3A_12 = arith.constant 0 : index
      %get3A_13 = vector.load %arg4[%get3A_10, %get3A_11, %get3A_12] : memref<1x1024x768xf32, #tpu.memory_space<vmem>>, vector<1x1024x768xf32>
      %get3A_14 = vector.shape_cast %get3A_13 : vector<1x1024x768xf32> to vector<1024x768xf32>
      %get3A_15 = arith.constant 0 : index
      %get3A_16 = arith.constant 0 : index
      %get3A_17 = arith.constant 0 : index
      %get3A_18 = vector.load %arg5[%get3A_15, %get3A_16, %get3A_17] : memref<1x768x1024xf32, #tpu.memory_space<vmem>>, vector<1x768x1024xf32>
      %get3A_19 = vector.shape_cast %get3A_18 : vector<1x768x1024xf32> to vector<768x1024xf32>
      %dot_general3A = arith.constant dense<0.000000e+00> : vector<64x1024xf32>
      %dot_general3A_20 = tpu.matmul %get3A_4, %get3A_9, %dot_general3A {dimension_numbers = #tpu.dot_dimension_numbers<[1], [1], [0], [0], [0, 0, 1, 0], [], []>, transpose_lhs_hint = false} : vector<64x768xf32>, vector<1024x768xf32>, vector<64x1024xf32> -> vector<64x1024xf32>
      %dot_general3A_21 = arith.constant dense<0.000000e+00> : vector<64x1024xf32>
      %dot_general3A_22 = tpu.matmul %get3A_4, %get3A_14, %dot_general3A_21 {dimension_numbers = #tpu.dot_dimension_numbers<[1], [1], [0], [0], [0, 0, 1, 0], [], []>, transpose_lhs_hint = false} : vector<64x768xf32>, vector<1024x768xf32>, vector<64x1024xf32> -> vector<64x1024xf32>
      %logistic3A = arith.negf %dot_general3A_20 : vector<64x1024xf32>
      %logistic3A_23 = math.exp %logistic3A : vector<64x1024xf32>
      %logistic3A_24 = arith.constant 1.000000e+00 : f32
      %logistic3A_25 = vector.broadcast %logistic3A_24 : f32 to vector<64x1024xf32>
      %logistic3A_26 = arith.addf %logistic3A_25, %logistic3A_23 : vector<64x1024xf32>
      %logistic3A_27 = arith.divf %logistic3A_25, %logistic3A_26 : vector<64x1024xf32>
      %mul3A = arith.mulf %dot_general3A_20, %logistic3A_27 : vector<64x1024xf32>
      %mul3A_28 = arith.mulf %mul3A, %dot_general3A_22 : vector<64x1024xf32>
      %dot_general3A_29 = arith.constant dense<0.000000e+00> : vector<64x768xf32>
      %dot_general3A_30 = tpu.matmul %mul3A_28, %get3A_19, %dot_general3A_29 {dimension_numbers = #tpu.dot_dimension_numbers<[1], [1], [0], [0], [0, 0, 1, 0], [], []>, transpose_lhs_hint = false} : vector<64x1024xf32>, vector<768x1024xf32>, vector<64x768xf32> -> vector<64x768xf32>
      %swap3A = arith.constant 0 : index
      %swap3A_31 = arith.constant 0 : index
      %swap3A_32 = vector.load %arg6[%swap3A, %swap3A_31] : memref<64x768xf32, #tpu.memory_space<vmem>>, vector<64x768xf32>
      tpu.vector_store %arg6[%swap3A, %swap3A_31], %dot_general3A_30 {strides = array<i32>} : memref<64x768xf32, #tpu.memory_space<vmem>>, vector<64x768xf32>,
    } else {
    }
    return
  }
  func.func @transform_0(%arg0: i32, %arg1: memref<97xi32, #tpu.memory_space<smem>>) -> (i32, i32) {
    %get3A = arith.constant 96 : index
    %get3A_0 = memref.load %arg1[%get3A] : memref<97xi32, #tpu.memory_space<smem>>
    %sub3A = arith.constant 1 : i32
    %sub3A_1 = arith.subi %get3A_0, %sub3A : i32
    %min3A = arith.minsi %arg0, %sub3A_1 : i32
    %c0_i32 = arith.constant 0 : i32
    %c0_i32_2 = arith.constant 0 : i32
    return %min3A, %c0_i32 : i32, i32
  }
  func.func @transform_1(%arg0: i32, %arg1: memref<97xi32, #tpu.memory_space<smem>>) -> (i32, i32, i32) {
    %get3A = arith.index_cast %arg0 : i32 to index
    %get3A_0 = memref.load %arg1[%get3A] : memref<97xi32, #tpu.memory_space<smem>>
    %c0_i32 = arith.constant 0 : i32
    %c0_i32_1 = arith.constant 0 : i32
    %c0_i32_2 = arith.constant 0 : i32
    return %get3A_0, %c0_i32, %c0_i32_1 : i32, i32, i32
  }
  func.func @transform_2(%arg0: i32, %arg1: memref<97xi32, #tpu.memory_space<smem>>) -> (i32, i32, i32) {
    %get3A = arith.index_cast %arg0 : i32 to index
    %get3A_0 = memref.load %arg1[%get3A] : memref<97xi32, #tpu.memory_space<smem>>
    %c0_i32 = arith.constant 0 : i32
    %c0_i32_1 = arith.constant 0 : i32
    %c0_i32_2 = arith.constant 0 : i32
    return %get3A_0, %c0_i32, %c0_i32_1 : i32, i32, i32
  }
  func.func @transform_3(%arg0: i32, %arg1: memref<97xi32, #tpu.memory_space<smem>>) -> (i32, i32, i32) {
    %get3A = arith.index_cast %arg0 : i32 to index
    %get3A_0 = memref.load %arg1[%get3A] : memref<97xi32, #tpu.memory_space<smem>>
    %c0_i32 = arith.constant 0 : i32
    %c0_i32_1 = arith.constant 0 : i32
    %c0_i32_2 = arith.constant 0 : i32
    return %get3A_0, %c0_i32, %c0_i32_1 : i32, i32, i32
  }
  func.func @transform_4(%arg0: i32, %arg1: memref<97xi32, #tpu.memory_space<smem>>) -> (i32, i32) {
    %get3A = arith.constant 96 : index
    %get3A_0 = memref.load %arg1[%get3A] : memref<97xi32, #tpu.memory_space<smem>>
    %sub3A = arith.constant 1 : i32
    %sub3A_1 = arith.subi %get3A_0, %sub3A : i32
    %min3A = arith.minsi %arg0, %sub3A_1 : i32
    %c0_i32 = arith.constant 0 : i32
    %c0_i32_2 = arith.constant 0 : i32
    return %min3A, %c0_i32 : i32, i32
  }
}

</mosaic_0001>

<sc_bundles>
// kernel: kernel.10.cloned.1.call-start
scs
__scs_entry_jumppad:
0x0: {  	(pc) =	sbr.rel $0x88, $3  }
0x1: {  	(tag) =	ssettag $0x0;
	lr =	simm.s32 $0x1  }
0x2: {  	[smem:$0x3F99] =	sst lr;
	_ =	strace $0xD0000000  }
0x3: {  	_ = 	snop  }
0x4: {  	_ = 	snop  }
0x5: {  	_ = 	snop  }
0x6: {  	_ = 	snop  }
0x7: {  	_ = 	snop  }
__scs_overlays_trampoline_lowered:
0x8: {  	[smem:$0x3FA8] =	sst s0  }
0x9: {  	[smem:$0x3FA9] =	sst s1  }
0xa: {  	[smem:$0x3FAA] =	sst s2  }
0xb: {  	[smem:$0x3FAB] =	sst s3  }
0xc: {  	[smem:$0x3FAC] =	sst s4  }
0xd: {  	[smem:$0x3FAD] =	sst s5  }
0xe: {  	[smem:$0x3FAE] =	sst s6  }
0xf: {  	[smem:$0x3FAF] =	sst s7  }
0x10: {  	[smem:$0x3FB0] =	sst s8  }
0x11: {  	[smem:$0x3FB1] =	sst s9;
	s0 =	simm.s32 @!p0 $0x0  }
0x12: {  	s1 =	sld [smem:$0x3F97];
	s0 =	simm.s32 @p0 $0x1  }
0x13: {  	[smem:$0x3FB2] =	sst s0;
	s0 =	simm.s32 @!p1 $0x0  }
0x14: {  	s2 =	sld [smem:$0x3F96];
	s0 =	simm.s32 @p1 $0x1  }
0x15: {  	[smem:$0x3FB3] =	sst s0;
	s0 =	simm.s32 @!p2 $0x0  }
0x16: {  	s3 =	sld [smem:$0x3FDB];
	s0 =	simm.s32 @p2 $0x1  }
0x17: {  	s4 =	simm.s32 $0x1BF5;
	[smem:$0x3FB5] =	sst s0  }
0x18: {  	s0 =	sld [smem:$0x3F98];
	_ =	swait.ge [sflag:s4], $0x0  }
0x19: {  	s7 =	sld [smem:$0x3F99]  }
0x1a: {  	s8 =	sadd.s32 $0xFFFFE003, lr  }
0x1b: {  	s9 =	sadd.s32 $0xFFFFFEF7, lr;
	s5 =	simm.s32 $0xFFFFFFFF;
	p2 =	slt.u32 s8, $0xFFFFF086  }
0x1c: {  	p1 =	slt.u32 s9, $0xF7A;
	s5 =	simm.s32 @!p2 $0x0  }
0x1d: {  	s5 =	simm.s32 @p1 $0x1;
	p0 =	seq.s32 s7, s2  }
0x1e: {  	s7 =	smul.u32 @!p0 $0xF7A, s2;
	p2 =	seq.s32 @!p0 s5, $0x0  }
0x1f: {  	s9 =	smul.u32 $0xF7A, s1;
	s8 =	simm.s32 @!p0 $0x1BF5;
	p2 =	por !p2, p0  }
0x20: {  	[sflag:s8] =	ssyncset.s32 @!p0 $0xFFFFF086;
	s6 =	sadd.s32 @!p0 s3, s7;
	s7 =	simm.s32 @!p0 $0x108  }
0x21: {  	s3 =	sadd.s32 s3, s9;
	s6 =	sadd.s32 @!p0 $0x88, s6;
	s7 =	simm.s32 @p2 $0x1082  }
0x22: {  	[simem:s7], [sflag:s8] =	dma.local @!p0 [hbm:s6], $0xF7A  }
0x23: {  	s9 =	sor.u32 $0xD0000000, s2;
	s6 =	simm.s32 $0x108;
	_ =	swait.ge @!p0 [sflag:s8], $0x0  }
0x24: {  	s3 =	sadd.s32 $0x88, s3;
	s6 =	simm.s32 @!p1 $0x1082;
	[sflag:s4] =	ssyncset.s32 $0xFFFFF086  }
0x25: {  	[simem:s6], [sflag:s4] =	dma.local [hbm:s3], $0xF7A  }
0x26: {  	[smem:$0x3F99] =	sst s1;
	(tag) =	ssettag s2;
	_ =	strace s9  }
0x27: {  	s1 =	sld [smem:$0x3FA9]  }
0x28: {  	s2 =	sld [smem:$0x3FAA]  }
0x29: {  	s4 =	sld [smem:$0x3FAC]  }
0x2a: {  	p0 =	seq.s32 s5, $0x0;
	s5 =	sld [smem:$0x3FAD]  }
0x2b: {  	s6 =	sld [smem:$0x3FAE]  }
0x2c: {  	s7 =	sld [smem:$0x3FAF]  }
0x2d: {  	s3 =	simm.s32 $0x108;
	s8 =	sld [smem:$0x3FB0]  }
0x2e: {  	s3 =	simm.s32 @!p0 $0x1082;
	s9 =	sld [smem:$0x3FB1]  }
0x2f: {  	lr =	sadd.s32 s0, s3;
	s0 =	sld [smem:$0x3FA8]  }
0x30: {  	s3 =	sld [smem:$0x3FAB]  }
0x31: {  	[smem:$0x3FB4] =	sst s10  }
0x32: {  	s10 =	sld [smem:$0x3FB2];
	_ =	sdelay $0x3  }
0x33: {  	p0 =	seq.s32 s10, $0x1;
	s10 =	sld [smem:$0x3FB4];
	_ =	sdelay $0x3  }
0x34: {  	[smem:$0x3FB4] =	sst s10  }
0x35: {  	s10 =	sld [smem:$0x3FB3];
	_ =	sdelay $0x3  }
0x36: {  	p1 =	seq.s32 s10, $0x1;
	s10 =	sld [smem:$0x3FB4];
	_ =	sdelay $0x3  }
0x37: {  	[smem:$0x3FB4] =	sst s10  }
0x38: {  	s10 =	sld [smem:$0x3FB5]  }
0x39: {  	_ = 	snop;
	(pc) =	sbr.ind lr, $3  }
0x3a: {  	_ = 	snop  }
0x3b: {  	_ = 	snop  }
0x3c: {  	p2 =	seq.s32 s10, $0x1;
	s10 =	sld [smem:$0x3FB4]  }
0x3d: {  	_ =	shalt  }
0x3e: {  	_ =	shalt  }
0x3f: {  	_ =	shalt  }
0x40: {  	_ =	shalt  }
0x41: {  	_ =	shalt  }
0x42: {  	_ =	shalt  }
0x43: {  	_ =	shalt  }
0x44: {  	_ =	shalt  }
0x45: {  	_ =	shalt  }
0x46: {  	_ =	shalt  }
0x47: {  	_ =	shalt  }
0x48: {  	_ =	shalt  }
0x49: {  	_ =	shalt  }
0x4a: {  	_ =	shalt  }
0x4b: {  	_ =	shalt  }
0x4c: {  	_ =	shalt  }
0x4d: {  	_ =	shalt  }
0x4e: {  	_ =	shalt  }
0x4f: {  	_ =	shalt  }
0x50: {  	_ =	shalt  }
0x51: {  	_ =	shalt  }
0x52: {  	_ =	shalt  }
0x53: {  	_ =	shalt  }
0x54: {  	_ =	shalt  }
0x55: {  	_ =	shalt  }
0x56: {  	_ =	shalt  }
0x57: {  	_ =	shalt  }
0x58: {  	_ =	shalt  }
0x59: {  	_ =	shalt  }
0x5a: {  	_ =	shalt  }
0x5b: {  	_ =	shalt  }
0x5c: {  	_ =	shalt  }
0x5d: {  	_ =	shalt  }
0x5e: {  	_ =	shalt  }
0x5f: {  	_ =	shalt  }
0x60: {  	_ =	shalt  }
0x61: {  	_ =	shalt  }
0x62: {  	_ =	shalt  }
0x63: {  	_ =	shalt  }
0x64: {  	_ =	shalt  }
0x65: {  	_ =	shalt  }
0x66: {  	_ =	shalt  }
0x67: {  	_ =	shalt  }
0x68: {  	_ =	shalt  }
0x69: {  	_ =	shalt  }
0x6a: {  	_ =	shalt  }
0x6b: {  	_ =	shalt  }
0x6c: {  	_ =	shalt  }
0x6d: {  	_ =	shalt  }
0x6e: {  	_ =	shalt  }
0x6f: {  	_ =	shalt  }
0x70: {  	_ =	shalt  }
0x71: {  	_ =	shalt  }
0x72: {  	_ =	shalt  }
0x73: {  	_ =	shalt  }
0x74: {  	_ =	shalt  }
0x75: {  	_ =	shalt  }
0x76: {  	_ =	shalt  }
0x77: {  	_ =	shalt  }
0x78: {  	_ =	shalt  }
0x79: {  	_ =	shalt  }
0x7a: {  	_ =	shalt  }
0x7b: {  	_ =	shalt  }
0x7c: {  	_ =	shalt  }
0x7d: {  	_ =	shalt  }
0x7e: {  	_ =	shalt  }
0x7f: {  	_ =	shalt  }
0x80: {  	_ =	shalt  }
0x81: {  	_ =	shalt  }
0x82: {  	_ =	shalt  }
0x83: {  	_ =	shalt  }
0x84: {  	_ =	shalt  }
0x85: {  	_ =	shalt  }
0x86: {  	_ =	shalt  }
0x87: {  	_ =	shalt  }
.Lfunc_end0:
.L_simem_size_0:
called_computation.1_lowered:
.L_overlay_start_0:
0x88: {  	s2 =	sld [smem:$0x3FD9]  }
0x89: {  	s3 =	sld [smem:$0x3FFE];
	_ =	sdelay $0x1  }
0x8a: {  	s1 =	srdreg.scid  }
0x8b: {  	s0 =	sand.u32 $0x1, s1  }
0x8c: {  	s14 =	sshll.u32 s0, $0xA;
	s2 =	sadd.s32 s3, s2  }
0x8d: {  	s2 =	sadd.s32 s2, s14  }
0x8e: {  	[smem:$0x3FC0] =	sst s2  }
0x8f: {  	_ = 	snop  }
0x90: {  	s2 =	sld [smem:$0x3FD0];
	_ =	sdelay $0x2  }
0x91: {  	s15 =	simm.s32 $0xA;
	s4 =	simm.s32 $0x10  }
0x92: {  	[smem:s4], [sflag:s15] =	dma.local [hbm:s2], $0x1  }
0x93: {  	_ =	swait.eq [sflag:s15], $0x1  }
0x94: {  	[sflag:s15] =	ssyncset.done $0x0  }
0x95: {  	[sflag:s15] =	ssyncadd.s32 $0xFFFFFFFF  }
0x96: {  	s16 =	sld [smem:$0x10];
	(tm) =	ssettm $0x1  }
0x97: {  	s17 =	sld [smem:$0x3FFB];
	_ =	sdelay $0x3  }
0x98: {  	_ =	strace s17  }
0x99: {  	s3 =	sld [smem:$0x3FFC];
	_ =	sdelay $0x3  }
0x9a: {  	_ =	strace s3  }
0x9b: {  	s3 =	sld [smem:$0x3FFD];
	_ =	sdelay $0x3  }
0x9c: {  	_ =	strace s3  }
0x9d: {  	_ =	strace $0x8FFFFFFF  }
0x9e: {  	s18 =	sld [smem:$0x3FDB];
	_ =	sdelay $0x1  }
0x9f: {  	s19 =	simm.s32 $_scs_section_size  }
0xa0: {  	s5 =	simm.s32 $_size__tile_overlayer_lowered;
	s6 =	simm.s32 $_tile_overlayer_lowered  }
0xa1: {  	s22 =	simm.s32 $0x1BFF;
	s21 =	sshll.u32 s6, $0x1;
	s3 =	sadd.s32 s19, s18  }
0xa2: {  	s7 =	simm.s32 $0x0;
	s20 =	sshll.u32 s5, $0x1;
	s5 =	sadd.s32 s21, s3  }
0xa3: {  	[timem:s7], [sflag:s22] =	dma.local [hbm:s5], s20  }
0xa4: {  	_ =	swait.ge [sflag:s22], s20  }
0xa5: {  	s4 =	ssub.s32 $0x0, s20;
	[sflag:s22] =	ssyncset.done $0x0  }
0xa6: {  	[sflag:s22] =	ssyncadd.s32 s4;
	_ =	sdelay $0x1  }
0xa7: {  	s23 =	simm.s32 $0x1B8B  }
0xa8: {  	_ =	swait.ge [sflag:s23], $0x1  }
0xa9: {  	[sflag:s23] =	ssyncset.done $0x0  }
0xaa: {  	s25 =	simm.s32 $0x1B8E;
	s24 =	sld [smem:$0x3FFE];
	[sflag:s23] =	ssyncadd.s32 $0xFFFFFFFF  }
0xab: {  	s26 =	simm.s32 $execute0_lowered;
	[smem:$0x3FD2] =	sst s25  }
0xac: {  	s5 =	sshll.u32 s26, $0x1;
	_ =	strace $0x80000049;
	[dreg:$0x1] =	wrdreg $0xFFFFFFFF  }
0xad: {  	s28 =	simm.s32 $_size_execute0_lowered;
	s3 =	sadd.s32 s3, s5;
	[dreg:$0x0] =	wrdreg $0x0  }
0xae: {  	s5 =	sshll.u32 s28, $0x1;
	[dreg:$0x2] =	wrdreg s3  }
0xaf: {  	[dreg:$0x3] =	wrdreg s5  }
0xb0: {  	[dreg:$0x4] =	wrdreg $0xC0  }
0xb1: {  	_ =	task [dreg:s7], $0x5FFFF  }
0xb2: {  	[dreg:$0x1] =	wrdreg $0xFFFFFFFF  }
0xb3: {  	[dreg:$0x0] =	wrdreg $0x60  }
0xb4: {  	[dreg:$0x2] =	wrdreg s24  }
0xb5: {  	[dreg:$0x3] =	wrdreg s16  }
0xb6: {  	[dreg:$0x4] =	wrdreg $0x9  }
0xb7: {  	_ =	task.clear_ibuf [dreg:s7], $0x5FFFF;
	_ =	strace $0x90000049  }
0xb8: {  	s29 =	simm.s32 $0x9;
	_ =	strace $0x8000004B  }
0xb9: {  	_ =	swait.ge [sflag:s29], $0x1  }
0xba: {  	[sflag:s29] =	ssyncadd.s32 $0xFFFFFFFF  }
0xbb: {  	_ =	strace $0x9000004B  }
0xbc: {  	_ =	sfence  }
0xbd: {  	s30 =	sld [smem:$0x0];
	_ =	sdelay $0x2  }
0xbe: {  	s31 =	sshll.u32 s1, $0xD;
	s1 =	sshrl.u32 s1, $0x2  }
0xbf: {  	s3 =	sand.u32 $0x4000, s31;
	s1 =	sadd.s32 s1, s30  }
0xc0: {  	s0 =	sor.u32 s3, s0;
	s1 =	sshll.u32 s1, $0x11  }
0xc1: {  	s0 =	sor.u32 s1, s0  }
0xc2: {  	s0 =	sadd.s32 $0x8F2B, s0  }
0xc3: {  	[sflag:s0] =	ssyncadd.remote.s32 $0x1  }
0xc4: {  	_ =	sfence.sel $0xFFFF  }
0xc5: {  	[dreg:$0x0] =	wrdreg $0xFFFFFFFF;
	(pc) =	sbr.abs _section_cstart, $3  }
0xc6: {  	[dreg:$0x1] =	wrdreg $0xFFFFFFFF  }
0xc7: {  	_ =	task.clear_ibuf [dreg:s7], $0x2FFFF;
	_ =	strace $0x9FFFFFFF  }
0xc8: {  	(tm) =	ssettm $0x7FFFFFFF  }
0xc9: {  	_ =	shalt  }
tec
execute0_lowered:
.L_overlay_start_1:
0x0: {  	(tag) =	ssettag $0x1  }
0x1: {  	s0 =	rddreg [dreg:$0x0]  }
0x2: {  	s1 =	rddreg [dreg:$0x1];
	s2 =	srdreg.scid  }
0x3: {  	s4 =	stileid.u32;
	s10 =	simm.s32 $0x2;
	s11 =	simm.s32 $0x80  }
0x4: {  	s22 =	simm.s32 $0x5880;
	s23 =	simm.s32 $0x6080;
	s24 =	simm.s32 $0x6880  }
0x5: {  	s25 =	simm.s32 $0x7080;
	s28 =	simm.s32 $0x8080;
	s29 =	simm.s32 $0x8880  }
0x6: {  	s30 =	simm.s32 $0x9080;
	s31 =	simm.s32 $0x9880;
	s12 =	simm.s32 $0xB080  }
0x7: {  	s13 =	simm.s32 $0xB880;
	s14 =	simm.s32 $0xC080;
	s15 =	simm.s32 $0x1  }
0x8: {  	s16 =	simm.s32 $0x0;
	s3 =	sand.u32 $0x1, s2;
	s2 =	simm.s32 $0x0  }
0x9: {  	s4 =	sshll.u32 s4, $0x4;
	s5 =	sshll.u32 s3, $0x3;
	[smem:$0x7FF] =	sst s2  }
0xa: {  	s26 =	ssub.s32 $0x2, s3;
	s3 =	sadd.s32 $0x1800, s0;
	s4 =	sor.u32 s5, s4  }
0xb: {  	_ =	strace $0x8000004A;
	s6 =	sshrl.u32 s26, $0x1;
	s5 =	sadd.s32 $0x1900, s0  }
0xc: {  	s8 =	smul.u32 $0x300, s4;
	s4 =	sadd.s32 s4, s0;
	s9 =	ssub.s32 s26, s6  }
0xd: {  	v2 =	vlaneseq.u32;
	s6 =	sadd.s32 $0x1A00, s0;
	s26 =	simm.s32 $0x7880;
	s4 =	sadd.s32 $0x1600, s4  }
0xe: {  	vm0 =	vmmov $0xffff;
	v1 =	vshrl.u32 v2, $0x3;
	s9 =	smax.u32 s9, $0x1;
	s7 =	sadd.s32 s8, s0;
	s8 =	sadd.s32 s1, s8  }
0xf: {  	v0 =	vand.u32 $0x7, v2;
	v2 =	vor.u32 $0x8, v2;
	v1 =	vmul.u32 $0x8, v1;
	s0 =	simm.s32 $0xA080;
	s1 =	simm.s32 $0xA880;
	s7 =	sadd.s32 $0x91800, s7  }
.LBB2_1:
0x10: {  	[tilespmem:s2], [sflag:$0x2] =	stream.linear.gather [hbm4b:s4+s2], $0x40, $0x38;
	[tilespmem:$0x18080] =	vst v63  }
0x11: {  	_ =	swait.ge [sflag:s10], $0x40  }
0x12: {  	[sflag:s10] =	ssyncset.done $0x0  }
0x13: {  	[sflag:s10] =	ssyncadd.s32 $0xFFFFFFC0  }
0x14: {  	v3 =	vld [tilespmem:$0x0];
	_ =	sdelay $0x4  }
0x15: {  	v4 =	vshrl.u32 v3, $0x3  }
0x16: {  	v4 =	vmul.u32 $0x30, v4  }
0x17: {  	v3 =	vand.u32 $0x7, v3  }
0x18: {  	v3 =	vor.u32 v3, v4  }
0x19: {  	v4 =	vperm.xlane v3, v0;
	_ =	sdelay $0x1  }
0x1a: {  	v4 =	vadd.s32 v1, v4;
	_ =	sdelay $0x3  }
0x1b: {  	v3 =	vperm.xlane v3, v2  }
0x1c: {  	[tilespmem:s11], [sflag:$0x1] =	stream.indirect_vreg.gather [hbm4b:s3+s2], $0x80, v4, vm0, $0xb8;
	[tilespmem:$0x18080] =	vst v63  }
0x1d: {  	s17 =	simm.s32 $0x880;
	v3 =	vadd.s32 v1, v3  }
0x1e: {  	[tilespmem:s17], [sflag:$0x1] =	stream.indirect_vreg.gather [hbm4b:s5+s2], $0x80, v4, vm0, $0xb8;
	[tilespmem:$0x18080] =	vst v63  }
0x1f: {  	s20 =	simm.s32 $0x1080  }
0x20: {  	[tilespmem:s20], [sflag:$0x1] =	stream.indirect_vreg.gather [hbm4b:s6+s2], $0x80, v4, vm0, $0xb8;
	[tilespmem:$0x18080] =	vst v63  }
0x21: {  	s21 =	simm.s32 $0x1880  }
0x22: {  	[tilespmem:s21], [sflag:$0x1] =	stream.indirect_vreg.gather [hbm4b:s3+s2], $0x80, v3, vm0, $0xb8;
	[tilespmem:$0x18080] =	vst v63  }
0x23: {  	s18 =	simm.s32 $0x2080  }
0x24: {  	[tilespmem:s18], [sflag:$0x1] =	stream.indirect_vreg.gather [hbm4b:s5+s2], $0x80, v3, vm0, $0xb8;
	[tilespmem:$0x18080] =	vst v63  }
0x25: {  	s19 =	simm.s32 $0x2880  }
0x26: {  	[tilespmem:s19], [sflag:$0x1] =	stream.indirect_vreg.gather [hbm4b:s6+s2], $0x80, v3, vm0, $0xb8;
	[tilespmem:$0x18080] =	vst v63  }
0x27: {  	v3 =	vld [tilespmem:$0x10];
	_ =	sdelay $0x4  }
0x28: {  	v4 =	vshrl.u32 v3, $0x3  }
0x29: {  	v4 =	vmul.u32 $0x30, v4  }
0x2a: {  	v3 =	vand.u32 $0x7, v3  }
0x2b: {  	v3 =	vor.u32 v3, v4  }
0x2c: {  	v4 =	vperm.xlane v3, v0;
	_ =	sdelay $0x1  }
0x2d: {  	v4 =	vadd.s32 v1, v4;
	_ =	sdelay $0x3  }
0x2e: {  	s20 =	simm.s32 $0x3080;
	v3 =	vperm.xlane v3, v2  }
0x2f: {  	[tilespmem:s20], [sflag:$0x1] =	stream.indirect_vreg.gather [hbm4b:s3+s2], $0x80, v4, vm0, $0xb8;
	[tilespmem:$0x18080] =	vst v63  }
0x30: {  	s21 =	simm.s32 $0x3880;
	v3 =	vadd.s32 v1, v3  }
0x31: {  	[tilespmem:s21], [sflag:$0x1] =	stream.indirect_vreg.gather [hbm4b:s5+s2], $0x80, v4, vm0, $0xb8;
	[tilespmem:$0x18080] =	vst v63  }
0x32: {  	s18 =	simm.s32 $0x4080  }
0x33: {  	[tilespmem:s18], [sflag:$0x1] =	stream.indirect_vreg.gather [hbm4b:s6+s2], $0x80, v4, vm0, $0xb8;
	[tilespmem:$0x18080] =	vst v63  }
0x34: {  	s19 =	simm.s32 $0x4880  }
0x35: {  	[tilespmem:s19], [sflag:$0x1] =	stream.indirect_vreg.gather [hbm4b:s3+s2], $0x80, v3, vm0, $0xb8;
	[tilespmem:$0x18080] =	vst v63  }
0x36: {  	s20 =	simm.s32 $0x5080  }
0x37: {  	[tilespmem:s20], [sflag:$0x1] =	stream.indirect_vreg.gather [hbm4b:s5+s2], $0x80, v3, vm0, $0xb8;
	[tilespmem:$0x18080] =	vst v63  }
0x38: {  	_ = 	snop  }
0x39: {  	[tilespmem:s22], [sflag:$0x1] =	stream.indirect_vreg.gather [hbm4b:s6+s2], $0x80, v3, vm0, $0xb8;
	[tilespmem:$0x18080] =	vst v63  }
0x3a: {  	v3 =	vld [tilespmem:$0x20];
	_ =	sdelay $0x4  }
0x3b: {  	v4 =	vshrl.u32 v3, $0x3  }
0x3c: {  	v4 =	vmul.u32 $0x30, v4  }
0x3d: {  	v3 =	vand.u32 $0x7, v3  }
0x3e: {  	v3 =	vor.u32 v3, v4  }
0x3f: {  	v4 =	vperm.xlane v3, v0;
	_ =	sdelay $0x1  }
0x40: {  	v4 =	vadd.s32 v1, v4;
	_ =	sdelay $0x3  }
0x41: {  	v3 =	vperm.xlane v3, v2  }
0x42: {  	[tilespmem:s23], [sflag:$0x1] =	stream.indirect_vreg.gather [hbm4b:s3+s2], $0x80, v4, vm0, $0xb8;
	[tilespmem:$0x18080] =	vst v63  }
0x43: {  	v3 =	vadd.s32 v1, v3  }
0x44: {  	[tilespmem:s24], [sflag:$0x1] =	stream.indirect_vreg.gather [hbm4b:s5+s2], $0x80, v4, vm0, $0xb8;
	[tilespmem:$0x18080] =	vst v63  }
0x45: {  	_ = 	snop  }
0x46: {  	[tilespmem:s25], [sflag:$0x1] =	stream.indirect_vreg.gather [hbm4b:s6+s2], $0x80, v4, vm0, $0xb8;
	[tilespmem:$0x18080] =	vst v63  }
0x47: {  	_ = 	snop  }
0x48: {  	[tilespmem:s26], [sflag:$0x1] =	stream.indirect_vreg.gather [hbm4b:s3+s2], $0x80, v3, vm0, $0xb8;
	[tilespmem:$0x18080] =	vst v63  }
0x49: {  	_ = 	snop  }
0x4a: {  	[tilespmem:s28], [sflag:$0x1] =	stream.indirect_vreg.gather [hbm4b:s5+s2], $0x80, v3, vm0, $0xb8;
	[tilespmem:$0x18080] =	vst v63  }
0x4b: {  	_ = 	snop  }
0x4c: {  	[tilespmem:s29], [sflag:$0x1] =	stream.indirect_vreg.gather [hbm4b:s6+s2], $0x80, v3, vm0, $0xb8;
	[tilespmem:$0x18080] =	vst v63  }
0x4d: {  	v3 =	vld [tilespmem:$0x30];
	_ =	sdelay $0x4  }
0x4e: {  	v4 =	vshrl.u32 v3, $0x3  }
0x4f: {  	v4 =	vmul.u32 $0x30, v4  }
0x50: {  	v3 =	vand.u32 $0x7, v3  }
0x51: {  	v3 =	vor.u32 v3, v4  }
0x52: {  	v4 =	vperm.xlane v3, v0;
	_ =	sdelay $0x1  }
0x53: {  	v4 =	vadd.s32 v1, v4;
	_ =	sdelay $0x3  }
0x54: {  	v3 =	vperm.xlane v3, v2  }
0x55: {  	[tilespmem:s30], [sflag:$0x1] =	stream.indirect_vreg.gather [hbm4b:s3+s2], $0x80, v4, vm0, $0xb8;
	[tilespmem:$0x18080] =	vst v63  }
0x56: {  	v3 =	vadd.s32 v1, v3  }
0x57: {  	[tilespmem:s31], [sflag:$0x1] =	stream.indirect_vreg.gather [hbm4b:s5+s2], $0x80, v4, vm0, $0xb8;
	[tilespmem:$0x18080] =	vst v63  }
0x58: {  	_ = 	snop  }
0x59: {  	[tilespmem:s0], [sflag:$0x1] =	stream.indirect_vreg.gather [hbm4b:s6+s2], $0x80, v4, vm0, $0xb8;
	[tilespmem:$0x18080] =	vst v63  }
0x5a: {  	_ = 	snop  }
0x5b: {  	[tilespmem:s1], [sflag:$0x1] =	stream.indirect_vreg.gather [hbm4b:s3+s2], $0x80, v3, vm0, $0xb8;
	[tilespmem:$0x18080] =	vst v63  }
0x5c: {  	_ = 	snop  }
0x5d: {  	[tilespmem:s12], [sflag:$0x1] =	stream.indirect_vreg.gather [hbm4b:s5+s2], $0x80, v3, vm0, $0xb8;
	[tilespmem:$0x18080] =	vst v63  }
0x5e: {  	_ = 	snop  }
0x5f: {  	[tilespmem:s13], [sflag:$0x1] =	stream.indirect_vreg.gather [hbm4b:s6+s2], $0x80, v3, vm0, $0xb8;
	[tilespmem:$0x18080] =	vst v63  }
0x60: {  	_ = 	snop  }
0x61: {  	[tilespmem:s14], [sflag:$0x2] =	stream.linear.gather [hbm4b:s7+s2], $0xC000, $0x38;
	[tilespmem:$0x18080] =	vst v63  }
0x62: {  	_ =	swait.ge [sflag:s10], $0xC000  }
0x63: {  	[sflag:s10] =	ssyncset.done $0x0  }
0x64: {  	s21 =	simm.s32 $0x0;
	[sflag:s10] =	ssyncadd.s32 $0xFFFF4000  }
0x65: {  	s17 =	smul.u32 $0x1800, s21;
	_ =	swait.ge [sflag:s15], $0xC000  }
0x66: {  	s18 =	sand.u32 $0x380, s2;
	[sflag:s15] =	ssyncset.done $0x0  }
0x67: {  	s17 =	sor.u32 s18, s17;
	[sflag:s15] =	ssyncadd.s32 $0xFFFF4000  }
0x68: {  	v12 =	vld [tilespmem:s17+$0xC080]  }
0x69: {  	v13 =	vld [tilespmem:s17+$0xC090]  }
0x6a: {  	v14 =	vld [tilespmem:s17+$0xC0A0]  }
0x6b: {  	v15 =	vld [tilespmem:s17+$0xC0B0]  }
0x6c: {  	v16 =	vld [tilespmem:s17+$0xC0C0]  }
0x6d: {  	v17 =	vld [tilespmem:s17+$0xC0D0]  }
0x6e: {  	v18 =	vld [tilespmem:s17+$0xC0E0]  }
0x6f: {  	v19 =	vld [tilespmem:s17+$0xC0F0]  }
0x70: {  	v20 =	vld [tilespmem:s17+$0xC480]  }
0x71: {  	v21 =	vld [tilespmem:s17+$0xC490]  }
0x72: {  	v22 =	vld [tilespmem:s17+$0xC4A0]  }
0x73: {  	v23 =	vld [tilespmem:s17+$0xC4B0]  }
0x74: {  	v24 =	vld [tilespmem:s17+$0xC4C0]  }
0x75: {  	v25 =	vld [tilespmem:s17+$0xC4D0]  }
0x76: {  	v26 =	vld [tilespmem:s17+$0xC4E0]  }
0x77: {  	v27 =	vld [tilespmem:s17+$0xC4F0]  }
0x78: {  	v28 =	vld [tilespmem:s17+$0xC880]  }
0x79: {  	v29 =	vld [tilespmem:s17+$0xC890]  }
0x7a: {  	v30 =	vld [tilespmem:s17+$0xC8A0]  }
0x7b: {  	v31 =	vld [tilespmem:s17+$0xC8B0]  }
0x7c: {  	v32 =	vld [tilespmem:s17+$0xC8C0]  }
0x7d: {  	v33 =	vld [tilespmem:s17+$0xC8D0]  }
0x7e: {  	v34 =	vld [tilespmem:s17+$0xC8E0]  }
0x7f: {  	v35 =	vld [tilespmem:s17+$0xC8F0]  }
0x80: {  	v36 =	vld [tilespmem:s17+$0xCC80]  }
0x81: {  	v37 =	vld [tilespmem:s17+$0xCC90]  }
0x82: {  	v38 =	vld [tilespmem:s17+$0xCCA0]  }
0x83: {  	v39 =	vld [tilespmem:s17+$0xCCB0]  }
0x84: {  	v40 =	vld [tilespmem:s17+$0xCCC0]  }
0x85: {  	v41 =	vld [tilespmem:s17+$0xCCD0]  }
0x86: {  	v42 =	vld [tilespmem:s17+$0xCCE0]  }
0x87: {  	v43 =	vld [tilespmem:s17+$0xCCF0]  }
0x88: {  	v44 =	vld [tilespmem:s17+$0xD080]  }
0x89: {  	v45 =	vld [tilespmem:s17+$0xD090]  }
0x8a: {  	v46 =	vld [tilespmem:s17+$0xD0A0]  }
0x8b: {  	v47 =	vld [tilespmem:s17+$0xD0B0]  }
0x8c: {  	v48 =	vld [tilespmem:s17+$0xD0C0]  }
0x8d: {  	v49 =	vld [tilespmem:s17+$0xD0D0]  }
0x8e: {  	v50 =	vld [tilespmem:s17+$0xD0E0]  }
0x8f: {  	v11 =	vld [tilespmem:s17+$0xD0F0]  }
0x90: {  	v10 =	vld [tilespmem:s17+$0xD480]  }
0x91: {  	v9 =	vld [tilespmem:s17+$0xD490]  }
0x92: {  	v8 =	vld [tilespmem:s17+$0xD4A0]  }
0x93: {  	v7 =	vld [tilespmem:s17+$0xD4B0]  }
0x94: {  	v6 =	vld [tilespmem:s17+$0xD4C0]  }
0x95: {  	v51 =	vld [tilespmem:s17+$0x80]  }
0x96: {  	v52 =	vld [tilespmem:s17+$0x90]  }
0x97: {  	v53 =	vld [tilespmem:s17+$0xA0]  }
0x98: {  	v54 =	vld [tilespmem:s17+$0xB0]  }
0x99: {  	v55 =	vld [tilespmem:s17+$0xC0]  }
0x9a: {  	v62 =	vld [tilespmem:s17+$0xD0];
	v12 =	vadd.f32 v12, v51  }
0x9b: {  	v63 =	vld [tilespmem:s17+$0xE0];
	v13 =	vadd.f32 v13, v52  }
0x9c: {  	[tilespmem:s17+$0x80] =	vst v12;
	v12 =	vadd.f32 v14, v53;
	v14 =	vld [tilespmem:s17+$0xF0]  }
0x9d: {  	[tilespmem:s17+$0x90] =	vst v13;
	v13 =	vadd.f32 v15, v54;
	v15 =	vld [tilespmem:s17+$0x480]  }
0x9e: {  	[tilespmem:s17+$0xA0] =	vst v12;
	v12 =	vadd.f32 v16, v55;
	v16 =	vld [tilespmem:s17+$0x490]  }
0x9f: {  	[tilespmem:s17+$0xB0] =	vst v13;
	v13 =	vadd.f32 v17, v62;
	v17 =	vld [tilespmem:s17+$0x4A0]  }
0xa0: {  	v5 =	vld [tilespmem:s17+$0xD4D0]  }
0xa1: {  	[tilespmem:s17+$0xC0] =	vst v12;
	v12 =	vadd.f32 v18, v63;
	v18 =	vld [tilespmem:s17+$0x4F0]  }
0xa2: {  	[tilespmem:s17+$0xD0] =	vst v13;
	v13 =	vadd.f32 v19, v14;
	v14 =	vld [tilespmem:s17+$0x4B0]  }
0xa3: {  	[tilespmem:s17+$0xE0] =	vst v12;
	v12 =	vadd.f32 v20, v15;
	v15 =	vld [tilespmem:s17+$0x4C0]  }
0xa4: {  	[tilespmem:s17+$0xF0] =	vst v13;
	v13 =	vadd.f32 v21, v16;
	v16 =	vadd.f32 v22, v17;
	v17 =	vld [tilespmem:s17+$0x4E0]  }
0xa5: {  	[tilespmem:s17+$0x480] =	vst v12;
	v12 =	vld [tilespmem:s17+$0x4D0]  }
0xa6: {  	[tilespmem:s17+$0x490] =	vst v13;
	v13 =	vld [tilespmem:s17+$0x880];
	v18 =	vadd.f32 v27, v18  }
0xa7: {  	[tilespmem:s17+$0x4A0] =	vst v16;
	v16 =	vld [tilespmem:s17+$0x890];
	v14 =	vadd.f32 v23, v14  }
0xa8: {  	v4 =	vld [tilespmem:s17+$0xD4E0];
	v15 =	vadd.f32 v24, v15;
	[tilespmem:s17+$0x4F0] =	vst v18  }
0xa9: {  	[tilespmem:s17+$0x4B0] =	vst v14;
	v14 =	vld [tilespmem:s17+$0x8A0];
	v17 =	vadd.f32 v26, v17  }
0xaa: {  	v12 =	vadd.f32 v25, v12;
	[tilespmem:s17+$0x4C0] =	vst v15;
	v15 =	vld [tilespmem:s17+$0x8B0]  }
0xab: {  	v18 =	vld [tilespmem:s17+$0x8F0];
	[tilespmem:s17+$0x4E0] =	vst v17;
	v13 =	vadd.f32 v28, v13  }
0xac: {  	v16 =	vadd.f32 v29, v16;
	[tilespmem:s17+$0x4D0] =	vst v12;
	v12 =	vld [tilespmem:s17+$0x8C0]  }
0xad: {  	v17 =	vld [tilespmem:s17+$0x8D0];
	[tilespmem:s17+$0x880] =	vst v13  }
0xae: {  	[tilespmem:s17+$0x890] =	vst v16;
	v16 =	vld [tilespmem:s17+$0x8E0];
	v13 =	vadd.f32 v30, v14  }
0xaf: {  	v14 =	vld [tilespmem:s17+$0xC80];
	v15 =	vadd.f32 v31, v15  }
0xb0: {  	[tilespmem:s17+$0x8A0] =	vst v13;
	v13 =	vld [tilespmem:s17+$0xC90]  }
0xb1: {  	v12 =	vadd.f32 v32, v12;
	[tilespmem:s17+$0x8B0] =	vst v15;
	v15 =	vld [tilespmem:s17+$0xCA0]  }
0xb2: {  	v3 =	vld [tilespmem:s17+$0xD4F0];
	v17 =	vadd.f32 v33, v17  }
0xb3: {  	v16 =	vadd.f32 v34, v16;
	[tilespmem:s17+$0x8C0] =	vst v12;
	v12 =	vld [tilespmem:s17+$0xCB0]  }
0xb4: {  	[tilespmem:s17+$0x8D0] =	vst v17;
	v17 =	vld [tilespmem:s17+$0xCC0];
	v14 =	vadd.f32 v36, v14  }
0xb5: {  	v18 =	vadd.f32 v35, v18;
	[tilespmem:s17+$0x8E0] =	vst v16;
	v16 =	vld [tilespmem:s17+$0xCD0]  }
0xb6: {  	v13 =	vadd.f32 v37, v13;
	[tilespmem:s17+$0xC80] =	vst v14;
	v14 =	vadd.f32 v38, v15;
	v15 =	vld [tilespmem:s17+$0xCE0]  }
0xb7: {  	[tilespmem:s17+$0x8F0] =	vst v18;
	v18 =	vld [tilespmem:s17+$0xCF0]  }
0xb8: {  	[tilespmem:s17+$0xC90] =	vst v13;
	v13 =	vld [tilespmem:s17+$0x1080];
	v12 =	vadd.f32 v39, v12  }
0xb9: {  	v17 =	vadd.f32 v40, v17;
	[tilespmem:s17+$0xCA0] =	vst v14;
	v14 =	vld [tilespmem:s17+$0x1090]  }
0xba: {  	v16 =	vadd.f32 v41, v16;
	[tilespmem:s17+$0xCB0] =	vst v12;
	v12 =	vld [tilespmem:s17+$0x10A0]  }
0xbb: {  	[tilespmem:s17+$0xCC0] =	vst v17;
	v17 =	vld [tilespmem:s17+$0x10B0];
	v15 =	vadd.f32 v42, v15  }
0xbc: {  	v19 =	vld [tilespmem:s17+$0x10C0];
	[tilespmem:s17+$0xCD0] =	vst v16;
	v16 =	vadd.f32 v43, v18  }
0xbd: {  	v18 =	vld [tilespmem:s17+$0x10D0];
	v13 =	vadd.f32 v44, v13;
	[tilespmem:s17+$0xCE0] =	vst v15  }
0xbe: {  	v20 =	vld [tilespmem:s17+$0x10E0];
	[tilespmem:s17+$0xCF0] =	vst v16;
	v14 =	vadd.f32 v45, v14  }
0xbf: {  	v16 =	vld [tilespmem:s17+$0x10F0];
	[tilespmem:s17+$0x1080] =	vst v13;
	v12 =	vadd.f32 v46, v12  }
0xc0: {  	v15 =	vld [tilespmem:s17+$0x1480];
	v13 =	vadd.f32 v47, v17;
	[tilespmem:s17+$0x1090] =	vst v14  }
0xc1: {  	v14 =	vld [tilespmem:s17+$0x1490];
	[tilespmem:s17+$0x10A0] =	vst v12;
	v12 =	vadd.f32 v48, v19  }
0xc2: {  	[tilespmem:s17+$0x10B0] =	vst v13;
	v13 =	vld [tilespmem:s17+$0x14A0];
	v18 =	vadd.f32 v49, v18  }
0xc3: {  	s18 =	simm.s32 $0x1;
	s19 =	simm.s32 $0x0;
	v17 =	vadd.f32 v50, v20;
	[tilespmem:s17+$0x10C0] =	vst v12;
	v12 =	vld [tilespmem:s17+$0x14B0]  }
.LBB2_2:
0xc4: {  	s20 =	sshrl.u32 s18, $0x3;
	p0 =	sne.s32 s18, $0x3F;
	[tilespmem:s17+$0x10D0] =	vst v18;
	v11 =	vadd.f32 v11, v16;
	v16 =	vld [tilespmem:s17+$0x14C0]  }
0xc5: {  	s19 =	sadd.s32 $0x80, s19;
	s20 =	smul.u32 $0x1800, s20;
	[tilespmem:s17+$0x10E0] =	vst v17;
	v10 =	vadd.f32 v10, v15;
	v15 =	vld [tilespmem:s17+$0x14D0]  }
0xc6: {  	s21 =	sand.u32 $0x380, s19;
	[tilespmem:s17+$0x10F0] =	vst v11;
	v9 =	vadd.f32 v9, v14;
	v11 =	vld [tilespmem:s17+$0x14E0]  }
0xc7: {  	s20 =	sor.u32 s21, s20;
	[tilespmem:s17+$0x1480] =	vst v10;
	v8 =	vadd.f32 v8, v13;
	v10 =	vld [tilespmem:s17+$0x14F0]  }
0xc8: {  	v39 =	vld [tilespmem:s20+$0xC080];
	[tilespmem:s17+$0x1490] =	vst v9;
	v7 =	vadd.f32 v7, v12  }
0xc9: {  	v40 =	vld [tilespmem:s20+$0xC090];
	[tilespmem:s17+$0x14A0] =	vst v8;
	v6 =	vadd.f32 v6, v16  }
0xca: {  	v41 =	vld [tilespmem:s20+$0xC0A0];
	[tilespmem:s17+$0x14B0] =	vst v7;
	v5 =	vadd.f32 v5, v15  }
0xcb: {  	v42 =	vld [tilespmem:s20+$0xC0B0];
	[tilespmem:s17+$0x14C0] =	vst v6;
	v4 =	vadd.f32 v4, v11  }
0xcc: {  	v43 =	vld [tilespmem:s20+$0xC0C0];
	[tilespmem:s17+$0x14D0] =	vst v5;
	v3 =	vadd.f32 v3, v10  }
0xcd: {  	v44 =	vld [tilespmem:s20+$0xC0D0];
	[tilespmem:s17+$0x14E0] =	vst v4  }
0xce: {  	v45 =	vld [tilespmem:s20+$0xC0E0];
	[tilespmem:s17+$0x14F0] =	vst v3;
	s17 =	smov.u32 s20  }
0xcf: {  	v46 =	vld [tilespmem:s17+$0xC0F0]  }
0xd0: {  	v47 =	vld [tilespmem:s17+$0xC480]  }
0xd1: {  	v48 =	vld [tilespmem:s17+$0xC490]  }
0xd2: {  	v49 =	vld [tilespmem:s17+$0xC4A0]  }
0xd3: {  	v50 =	vld [tilespmem:s17+$0xC4B0]  }
0xd4: {  	v38 =	vld [tilespmem:s17+$0xC4C0]  }
0xd5: {  	v37 =	vld [tilespmem:s17+$0xC4D0]  }
0xd6: {  	v36 =	vld [tilespmem:s17+$0xC4E0]  }
0xd7: {  	v35 =	vld [tilespmem:s17+$0xC4F0]  }
0xd8: {  	v34 =	vld [tilespmem:s17+$0xC880]  }
0xd9: {  	v33 =	vld [tilespmem:s17+$0xC890]  }
0xda: {  	v32 =	vld [tilespmem:s17+$0xC8A0]  }
0xdb: {  	v31 =	vld [tilespmem:s17+$0xC8B0]  }
0xdc: {  	v30 =	vld [tilespmem:s17+$0xC8C0]  }
0xdd: {  	v29 =	vld [tilespmem:s17+$0xC8D0]  }
0xde: {  	v28 =	vld [tilespmem:s17+$0xC8E0]  }
0xdf: {  	v27 =	vld [tilespmem:s17+$0xC8F0]  }
0xe0: {  	v26 =	vld [tilespmem:s17+$0xCC80]  }
0xe1: {  	v25 =	vld [tilespmem:s17+$0xCC90]  }
0xe2: {  	v24 =	vld [tilespmem:s17+$0xCCA0]  }
0xe3: {  	v23 =	vld [tilespmem:s17+$0xCCB0]  }
0xe4: {  	v22 =	vld [tilespmem:s17+$0xCCC0]  }
0xe5: {  	v21 =	vld [tilespmem:s17+$0xCCD0]  }
0xe6: {  	v20 =	vld [tilespmem:s17+$0xCCE0]  }
0xe7: {  	v19 =	vld [tilespmem:s17+$0xCCF0]  }
0xe8: {  	v18 =	vld [tilespmem:s17+$0xD080]  }
0xe9: {  	v17 =	vld [tilespmem:s17+$0xD090]  }
0xea: {  	v16 =	vld [tilespmem:s17+$0xD0A0]  }
0xeb: {  	v15 =	vld [tilespmem:s17+$0xD0B0]  }
0xec: {  	v14 =	vld [tilespmem:s17+$0xD0C0]  }
0xed: {  	v13 =	vld [tilespmem:s17+$0xD0D0]  }
0xee: {  	v12 =	vld [tilespmem:s17+$0xD0E0]  }
0xef: {  	v11 =	vld [tilespmem:s17+$0xD0F0]  }
0xf0: {  	v10 =	vld [tilespmem:s17+$0xD480]  }
0xf1: {  	v9 =	vld [tilespmem:s17+$0xD490]  }
0xf2: {  	v8 =	vld [tilespmem:s17+$0xD4A0]  }
0xf3: {  	v7 =	vld [tilespmem:s17+$0xD4B0]  }
0xf4: {  	v6 =	vld [tilespmem:s17+$0xD4C0]  }
0xf5: {  	v5 =	vld [tilespmem:s17+$0xD4D0]  }
0xf6: {  	v4 =	vld [tilespmem:s17+$0xD4E0]  }
0xf7: {  	v3 =	vld [tilespmem:s17+$0xD4F0]  }
0xf8: {  	v51 =	vld [tilespmem:s17+$0x80]  }
0xf9: {  	v52 =	vld [tilespmem:s17+$0x90]  }
0xfa: {  	v53 =	vld [tilespmem:s17+$0xA0]  }
0xfb: {  	v54 =	vld [tilespmem:s17+$0xB0]  }
0xfc: {  	v55 =	vld [tilespmem:s17+$0xC0]  }
0xfd: {  	v39 =	vadd.f32 v39, v51;
	v51 =	vld [tilespmem:s17+$0xD0]  }
0xfe: {  	v40 =	vadd.f32 v40, v52;
	v52 =	vld [tilespmem:s17+$0xE0]  }
0xff: {  	[tilespmem:s17+$0x80] =	vst v39;
	v39 =	vadd.f32 v41, v53;
	v41 =	vld [tilespmem:s17+$0xF0]  }
0x100: {  	[tilespmem:s17+$0x90] =	vst v40;
	v40 =	vadd.f32 v42, v54;
	v42 =	vld [tilespmem:s17+$0x480]  }
0x101: {  	[tilespmem:s17+$0xA0] =	vst v39;
	v39 =	vadd.f32 v43, v55;
	v43 =	vld [tilespmem:s17+$0x490]  }
0x102: {  	[tilespmem:s17+$0xB0] =	vst v40;
	v40 =	vadd.f32 v44, v51;
	v44 =	vld [tilespmem:s17+$0x4A0]  }
0x103: {  	[tilespmem:s17+$0xC0] =	vst v39;
	v39 =	vadd.f32 v45, v52;
	v45 =	vld [tilespmem:s17+$0x4B0]  }
0x104: {  	[tilespmem:s17+$0xD0] =	vst v40;
	v40 =	vadd.f32 v46, v41;
	v41 =	vld [tilespmem:s17+$0x4C0]  }
0x105: {  	[tilespmem:s17+$0xE0] =	vst v39;
	v39 =	vadd.f32 v47, v42;
	v42 =	vld [tilespmem:s17+$0x4D0]  }
0x106: {  	[tilespmem:s17+$0xF0] =	vst v40;
	v40 =	vadd.f32 v48, v43;
	v43 =	vld [tilespmem:s17+$0x4E0]  }
0x107: {  	[tilespmem:s17+$0x480] =	vst v39;
	v39 =	vadd.f32 v49, v44;
	v44 =	vld [tilespmem:s17+$0x4F0]  }
0x108: {  	[tilespmem:s17+$0x490] =	vst v40;
	v40 =	vadd.f32 v50, v45;
	v45 =	vld [tilespmem:s17+$0x880]  }
0x109: {  	[tilespmem:s17+$0x4A0] =	vst v39;
	v38 =	vadd.f32 v38, v41;
	v39 =	vld [tilespmem:s17+$0x890]  }
0x10a: {  	[tilespmem:s17+$0x4B0] =	vst v40;
	v37 =	vadd.f32 v37, v42;
	v40 =	vld [tilespmem:s17+$0x8A0]  }
0x10b: {  	[tilespmem:s17+$0x4C0] =	vst v38;
	v36 =	vadd.f32 v36, v43;
	v38 =	vld [tilespmem:s17+$0x8B0]  }
0x10c: {  	[tilespmem:s17+$0x4D0] =	vst v37;
	v35 =	vadd.f32 v35, v44;
	v37 =	vld [tilespmem:s17+$0x8C0]  }
0x10d: {  	[tilespmem:s17+$0x4E0] =	vst v36;
	v34 =	vadd.f32 v34, v45;
	v36 =	vld [tilespmem:s17+$0x8D0]  }
0x10e: {  	[tilespmem:s17+$0x4F0] =	vst v35;
	v33 =	vadd.f32 v33, v39;
	v35 =	vld [tilespmem:s17+$0x8E0]  }
0x10f: {  	[tilespmem:s17+$0x880] =	vst v34;
	v32 =	vadd.f32 v32, v40;
	v34 =	vld [tilespmem:s17+$0x8F0]  }
0x110: {  	[tilespmem:s17+$0x890] =	vst v33;
	v31 =	vadd.f32 v31, v38;
	v33 =	vld [tilespmem:s17+$0xC80]  }
0x111: {  	[tilespmem:s17+$0x8A0] =	vst v32;
	v30 =	vadd.f32 v30, v37;
	v32 =	vld [tilespmem:s17+$0xC90]  }
0x112: {  	[tilespmem:s17+$0x8B0] =	vst v31;
	v29 =	vadd.f32 v29, v36;
	v31 =	vld [tilespmem:s17+$0xCA0]  }
0x113: {  	[tilespmem:s17+$0x8C0] =	vst v30;
	v28 =	vadd.f32 v28, v35;
	v30 =	vld [tilespmem:s17+$0xCB0]  }
0x114: {  	[tilespmem:s17+$0x8D0] =	vst v29;
	v27 =	vadd.f32 v27, v34;
	v29 =	vld [tilespmem:s17+$0xCC0]  }
0x115: {  	[tilespmem:s17+$0x8E0] =	vst v28;
	v26 =	vadd.f32 v26, v33;
	v28 =	vld [tilespmem:s17+$0xCD0]  }
0x116: {  	[tilespmem:s17+$0x8F0] =	vst v27;
	v25 =	vadd.f32 v25, v32;
	v27 =	vld [tilespmem:s17+$0xCE0]  }
0x117: {  	[tilespmem:s17+$0xC80] =	vst v26;
	v24 =	vadd.f32 v24, v31;
	v26 =	vld [tilespmem:s17+$0xCF0]  }
0x118: {  	[tilespmem:s17+$0xC90] =	vst v25;
	v23 =	vadd.f32 v23, v30;
	v25 =	vld [tilespmem:s17+$0x1080]  }
0x119: {  	[tilespmem:s17+$0xCA0] =	vst v24;
	v22 =	vadd.f32 v22, v29;
	v24 =	vld [tilespmem:s17+$0x1090]  }
0x11a: {  	[tilespmem:s17+$0xCB0] =	vst v23;
	v21 =	vadd.f32 v21, v28;
	v23 =	vld [tilespmem:s17+$0x10A0]  }
0x11b: {  	[tilespmem:s17+$0xCC0] =	vst v22;
	v20 =	vadd.f32 v20, v27;
	v22 =	vld [tilespmem:s17+$0x10B0]  }
0x11c: {  	[tilespmem:s17+$0xCD0] =	vst v21;
	v19 =	vadd.f32 v19, v26;
	v21 =	vld [tilespmem:s17+$0x10C0]  }
0x11d: {  	[tilespmem:s17+$0xCE0] =	vst v20;
	v18 =	vadd.f32 v18, v25;
	v20 =	vld [tilespmem:s17+$0x10D0]  }
0x11e: {  	[tilespmem:s17+$0xCF0] =	vst v19;
	v17 =	vadd.f32 v17, v24;
	v19 =	vld [tilespmem:s17+$0x10E0]  }
.Ltmp0:
0x11f: {  	[tilespmem:s17+$0x1080] =	vst v18;
	v18 =	vadd.f32 v16, v23;
	v16 =	vld [tilespmem:s17+$0x10F0];
	(pc) =	sbr.rel @p0 .LBB2_2-.Ltmp0, $4  }
0x120: {  	[tilespmem:s17+$0x1090] =	vst v17;
	v17 =	vadd.f32 v15, v22;
	v15 =	vld [tilespmem:s17+$0x1480]  }
0x121: {  	[tilespmem:s17+$0x10A0] =	vst v18;
	v21 =	vadd.f32 v14, v21;
	v14 =	vld [tilespmem:s17+$0x1490]  }
0x122: {  	[tilespmem:s17+$0x10B0] =	vst v17;
	v18 =	vadd.f32 v13, v20;
	v13 =	vld [tilespmem:s17+$0x14A0]  }
0x123: {  	s18 =	sadd.s32 $0x1, s18;
	[tilespmem:s17+$0x10C0] =	vst v21;
	v17 =	vadd.f32 v12, v19;
	v12 =	vld [tilespmem:s17+$0x14B0]  }
0x124: {  	[tilespmem:s17+$0x10D0] =	vst v18;
	v60 =	vld [tilespmem:s17+$0x14C0];
	v11 =	vadd.f32 v11, v16  }
0x125: {  	v61 =	vld [tilespmem:s17+$0x14D0];
	[tilespmem:s17+$0x10E0] =	vst v17;
	v10 =	vadd.f32 v10, v15  }
0x126: {  	v62 =	vld [tilespmem:s17+$0x14E0];
	[tilespmem:s17+$0x10F0] =	vst v11;
	v9 =	vadd.f32 v9, v14  }
0x127: {  	v63 =	vld [tilespmem:s17+$0x14F0];
	[tilespmem:s17+$0x1480] =	vst v10;
	v8 =	vadd.f32 v8, v13  }
0x128: {  	[tilespmem:s17+$0x1490] =	vst v9;
	v7 =	vadd.f32 v7, v12  }
0x129: {  	[tilespmem:s17+$0x14A0] =	vst v8;
	v6 =	vadd.f32 v6, v60  }
0x12a: {  	v5 =	vadd.f32 v5, v61;
	[tilespmem:s17+$0x14B0] =	vst v7  }
0x12b: {  	v4 =	vadd.f32 v4, v62;
	[tilespmem:s17+$0x14C0] =	vst v6  }
0x12c: {  	s16 =	sadd.s32 $0x1, s16;
	v3 =	vadd.f32 v3, v63;
	[tilespmem:s17+$0x14D0] =	vst v5  }
0x12d: {  	p0 =	sne.s32 s16, s9;
	[tilespmem:s17+$0x14E0] =	vst v4  }
.Ltmp1:
0x12e: {  	[tilespmem:s17+$0x14F0] =	vst v3;
	(pc) =	sbr.rel @p0 .LBB2_1-.Ltmp1, $4  }
0x12f: {  	[hbm4b:s8+s2] =	stream.linear.scatter [tilespmem:s11], [sflag:$0x2], $0xC000, $0x38;
	[tilespmem:$0x18080] =	vst v63  }
0x130: {  	_ =	swait.ge [sflag:s10], $0xC000  }
0x131: {  	[sflag:s10] =	ssyncset.done $0x0  }
0x132: {  	[sflag:s10] =	ssyncadd.s32 $0xFFFF4000  }
0x133: {  	_ =	sfence.sel $0x180000  }
0x134: {  	[bflag:$0x0] =	sbarrier.arrive $0xFFFF  }
0x135: {  	_ =	strace $0x9000004A  }
0x136: {  	s0 =	stileid.u32;
	[bflag:$0x2] =	sbarrier.arrive $0xFFFF  }
0x137: {  	p0 =	sne.s32 s0, $0x0;
	s0 =	rddreg [dreg:$0x2]  }
0x138: {  	s0 =	sadd.s32 @!p0 $0x100000, s0  }
0x139: {  	[sflag:s0] =	ssyncadd.tile.s32 @!p0 $0x1;
	_ =	shalt  }
.Lfunc_end2:
_tile_overlayer_lowered:
.L_overlay_start_2:
0x13a: {  	(tag) =	ssettag $0x2  }
0x13b: {  	s0 =	rddreg [dreg:$0x0];
	s2 =	stileid.u32  }
0x13c: {  	s1 =	rddreg [dreg:$0x1];
	p0 =	sne.s32 s2, $0x0  }
0x13d: {  	s3 =	rddreg [dreg:$0x2];
	[bflag:$0x3] =	sbarrier.arrive $0xFFFF;
	s2 =	simm.s32 @!p0 $0x1C02  }
0x13e: {  	[timem:s3], [sflag:s2] =	dma.local @!p0 [hbm:s0], s1  }
0x13f: {  	s0 =	simm.s32 @!p0 $0x2  }
0x140: {  	_ =	swait.ge @!p0 [sflag:s0], s1  }
0x141: {  	s1 =	ssub.s32 @!p0 $0x0, s1;
	[sflag:s0] =	ssyncset.done @!p0 $0x0  }
0x142: {  	[sflag:s0] =	ssyncadd.s32 @!p0 s1  }
0x143: {  	[bflag:$0x3] =	sbarrier.arrive $0xFFFF  }
0x144: {  	_ =	shalt  }

// kernel: kernel.7.cloned.1.call-start
scs
__scs_entry_jumppad:
0x0: {  	(pc) =	sbr.rel $0x88, $3  }
0x1: {  	(tag) =	ssettag $0x0;
	lr =	simm.s32 $0x1  }
0x2: {  	[smem:$0x3F99] =	sst lr;
	_ =	strace $0xD0000000  }
0x3: {  	_ = 	snop  }
0x4: {  	_ = 	snop  }
0x5: {  	_ = 	snop  }
0x6: {  	_ = 	snop  }
0x7: {  	_ = 	snop  }
__scs_overlays_trampoline_lowered:
0x8: {  	[smem:$0x3FA8] =	sst s0  }
0x9: {  	[smem:$0x3FA9] =	sst s1  }
0xa: {  	[smem:$0x3FAA] =	sst s2  }
0xb: {  	[smem:$0x3FAB] =	sst s3  }
0xc: {  	[smem:$0x3FAC] =	sst s4  }
0xd: {  	[smem:$0x3FAD] =	sst s5  }
0xe: {  	[smem:$0x3FAE] =	sst s6  }
0xf: {  	[smem:$0x3FAF] =	sst s7  }
0x10: {  	[smem:$0x3FB0] =	sst s8  }
0x11: {  	[smem:$0x3FB1] =	sst s9;
	s0 =	simm.s32 @!p0 $0x0  }
0x12: {  	s1 =	sld [smem:$0x3F97];
	s0 =	simm.s32 @p0 $0x1  }
0x13: {  	[smem:$0x3FB2] =	sst s0;
	s0 =	simm.s32 @!p1 $0x0  }
0x14: {  	s2 =	sld [smem:$0x3F96];
	s0 =	simm.s32 @p1 $0x1  }
0x15: {  	[smem:$0x3FB3] =	sst s0;
	s0 =	simm.s32 @!p2 $0x0  }
0x16: {  	s3 =	sld [smem:$0x3FDB];
	s0 =	simm.s32 @p2 $0x1  }
0x17: {  	s4 =	simm.s32 $0x1BF5;
	[smem:$0x3FB5] =	sst s0  }
0x18: {  	s0 =	sld [smem:$0x3F98];
	_ =	swait.ge [sflag:s4], $0x0  }
0x19: {  	s7 =	sld [smem:$0x3F99]  }
0x1a: {  	s8 =	sadd.s32 $0xFFFFE003, lr  }
0x1b: {  	s9 =	sadd.s32 $0xFFFFFEF7, lr;
	s5 =	simm.s32 $0xFFFFFFFF;
	p2 =	slt.u32 s8, $0xFFFFF086  }
0x1c: {  	p1 =	slt.u32 s9, $0xF7A;
	s5 =	simm.s32 @!p2 $0x0  }
0x1d: {  	s5 =	simm.s32 @p1 $0x1;
	p0 =	seq.s32 s7, s2  }
0x1e: {  	s7 =	smul.u32 @!p0 $0xF7A, s2;
	p2 =	seq.s32 @!p0 s5, $0x0  }
0x1f: {  	s9 =	smul.u32 $0xF7A, s1;
	s8 =	simm.s32 @!p0 $0x1BF5;
	p2 =	por !p2, p0  }
0x20: {  	[sflag:s8] =	ssyncset.s32 @!p0 $0xFFFFF086;
	s6 =	sadd.s32 @!p0 s3, s7;
	s7 =	simm.s32 @!p0 $0x108  }
0x21: {  	s3 =	sadd.s32 s3, s9;
	s6 =	sadd.s32 @!p0 $0x88, s6;
	s7 =	simm.s32 @p2 $0x1082  }
0x22: {  	[simem:s7], [sflag:s8] =	dma.local @!p0 [hbm:s6], $0xF7A  }
0x23: {  	s9 =	sor.u32 $0xD0000000, s2;
	s6 =	simm.s32 $0x108;
	_ =	swait.ge @!p0 [sflag:s8], $0x0  }
0x24: {  	s3 =	sadd.s32 $0x88, s3;
	s6 =	simm.s32 @!p1 $0x1082;
	[sflag:s4] =	ssyncset.s32 $0xFFFFF086  }
0x25: {  	[simem:s6], [sflag:s4] =	dma.local [hbm:s3], $0xF7A  }
0x26: {  	[smem:$0x3F99] =	sst s1;
	(tag) =	ssettag s2;
	_ =	strace s9  }
0x27: {  	s1 =	sld [smem:$0x3FA9]  }
0x28: {  	s2 =	sld [smem:$0x3FAA]  }
0x29: {  	s4 =	sld [smem:$0x3FAC]  }
0x2a: {  	p0 =	seq.s32 s5, $0x0;
	s5 =	sld [smem:$0x3FAD]  }
0x2b: {  	s6 =	sld [smem:$0x3FAE]  }
0x2c: {  	s7 =	sld [smem:$0x3FAF]  }
0x2d: {  	s3 =	simm.s32 $0x108;
	s8 =	sld [smem:$0x3FB0]  }
0x2e: {  	s3 =	simm.s32 @!p0 $0x1082;
	s9 =	sld [smem:$0x3FB1]  }
0x2f: {  	lr =	sadd.s32 s0, s3;
	s0 =	sld [smem:$0x3FA8]  }
0x30: {  	s3 =	sld [smem:$0x3FAB]  }
0x31: {  	[smem:$0x3FB4] =	sst s10  }
0x32: {  	s10 =	sld [smem:$0x3FB2];
	_ =	sdelay $0x3  }
0x33: {  	p0 =	seq.s32 s10, $0x1;
	s10 =	sld [smem:$0x3FB4];
	_ =	sdelay $0x3  }
0x34: {  	[smem:$0x3FB4] =	sst s10  }
0x35: {  	s10 =	sld [smem:$0x3FB3];
	_ =	sdelay $0x3  }
0x36: {  	p1 =	seq.s32 s10, $0x1;
	s10 =	sld [smem:$0x3FB4];
	_ =	sdelay $0x3  }
0x37: {  	[smem:$0x3FB4] =	sst s10  }
0x38: {  	s10 =	sld [smem:$0x3FB5]  }
0x39: {  	_ = 	snop;
	(pc) =	sbr.ind lr, $3  }
0x3a: {  	_ = 	snop  }
0x3b: {  	_ = 	snop  }
0x3c: {  	p2 =	seq.s32 s10, $0x1;
	s10 =	sld [smem:$0x3FB4]  }
0x3d: {  	_ =	shalt  }
0x3e: {  	_ =	shalt  }
0x3f: {  	_ =	shalt  }
0x40: {  	_ =	shalt  }
0x41: {  	_ =	shalt  }
0x42: {  	_ =	shalt  }
0x43: {  	_ =	shalt  }
0x44: {  	_ =	shalt  }
0x45: {  	_ =	shalt  }
0x46: {  	_ =	shalt  }
0x47: {  	_ =	shalt  }
0x48: {  	_ =	shalt  }
0x49: {  	_ =	shalt  }
0x4a: {  	_ =	shalt  }
0x4b: {  	_ =	shalt  }
0x4c: {  	_ =	shalt  }
0x4d: {  	_ =	shalt  }
0x4e: {  	_ =	shalt  }
0x4f: {  	_ =	shalt  }
0x50: {  	_ =	shalt  }
0x51: {  	_ =	shalt  }
0x52: {  	_ =	shalt  }
0x53: {  	_ =	shalt  }
0x54: {  	_ =	shalt  }
0x55: {  	_ =	shalt  }
0x56: {  	_ =	shalt  }
0x57: {  	_ =	shalt  }
0x58: {  	_ =	shalt  }
0x59: {  	_ =	shalt  }
0x5a: {  	_ =	shalt  }
0x5b: {  	_ =	shalt  }
0x5c: {  	_ =	shalt  }
0x5d: {  	_ =	shalt  }
0x5e: {  	_ =	shalt  }
0x5f: {  	_ =	shalt  }
0x60: {  	_ =	shalt  }
0x61: {  	_ =	shalt  }
0x62: {  	_ =	shalt  }
0x63: {  	_ =	shalt  }
0x64: {  	_ =	shalt  }
0x65: {  	_ =	shalt  }
0x66: {  	_ =	shalt  }
0x67: {  	_ =	shalt  }
0x68: {  	_ =	shalt  }
0x69: {  	_ =	shalt  }
0x6a: {  	_ =	shalt  }
0x6b: {  	_ =	shalt  }
0x6c: {  	_ =	shalt  }
0x6d: {  	_ =	shalt  }
0x6e: {  	_ =	shalt  }
0x6f: {  	_ =	shalt  }
0x70: {  	_ =	shalt  }
0x71: {  	_ =	shalt  }
0x72: {  	_ =	shalt  }
0x73: {  	_ =	shalt  }
0x74: {  	_ =	shalt  }
0x75: {  	_ =	shalt  }
0x76: {  	_ =	shalt  }
0x77: {  	_ =	shalt  }
0x78: {  	_ =	shalt  }
0x79: {  	_ =	shalt  }
0x7a: {  	_ =	shalt  }
0x7b: {  	_ =	shalt  }
0x7c: {  	_ =	shalt  }
0x7d: {  	_ =	shalt  }
0x7e: {  	_ =	shalt  }
0x7f: {  	_ =	shalt  }
0x80: {  	_ =	shalt  }
0x81: {  	_ =	shalt  }
0x82: {  	_ =	shalt  }
0x83: {  	_ =	shalt  }
0x84: {  	_ =	shalt  }
0x85: {  	_ =	shalt  }
0x86: {  	_ =	shalt  }
0x87: {  	_ =	shalt  }
.Lfunc_end0:
.L_simem_size_0:
called_computation_lowered:
.L_overlay_start_0:
0x88: {  	s2 =	sld [smem:$0x3FD9]  }
0x89: {  	s3 =	sld [smem:$0x3FFE];
	_ =	sdelay $0x1  }
0x8a: {  	s1 =	srdreg.scid  }
0x8b: {  	s0 =	sand.u32 $0x1, s1  }
0x8c: {  	s17 =	sshll.u32 s0, $0xA;
	s2 =	sadd.s32 s3, s2  }
0x8d: {  	s2 =	sadd.s32 s2, s17  }
0x8e: {  	[smem:$0x3FC0] =	sst s2  }
0x8f: {  	_ = 	snop  }
0x90: {  	s2 =	sld [smem:$0x3FC9];
	(tm) =	ssettm $0x1  }
0x91: {  	s18 =	sld [smem:$0x3FFB];
	_ =	sdelay $0x3  }
0x92: {  	_ =	strace s18  }
0x93: {  	s3 =	sld [smem:$0x3FFC];
	_ =	sdelay $0x3  }
0x94: {  	_ =	strace s3  }
0x95: {  	s3 =	sld [smem:$0x3FFD];
	_ =	sdelay $0x3  }
0x96: {  	_ =	strace s3  }
0x97: {  	_ =	strace $0x8FFFFFFF  }
0x98: {  	s19 =	sld [smem:$0x3FDB];
	_ =	sdelay $0x1  }
0x99: {  	s4 =	simm.s32 $_scs_section_size  }
0x9a: {  	s5 =	simm.s32 $_size__tile_overlayer_lowered;
	s6 =	simm.s32 $_tile_overlayer_lowered  }
0x9b: {  	s22 =	simm.s32 $0x1BFF;
	s21 =	sshll.u32 s6, $0x1;
	s3 =	sadd.s32 s4, s19  }
0x9c: {  	s7 =	simm.s32 $0x0;
	s20 =	sshll.u32 s5, $0x1;
	s5 =	sadd.s32 s21, s3  }
0x9d: {  	[timem:s7], [sflag:s22] =	dma.local [hbm:s5], s20  }
0x9e: {  	_ =	swait.ge [sflag:s22], s20  }
0x9f: {  	s4 =	ssub.s32 $0x0, s20;
	[sflag:s22] =	ssyncset.done $0x0  }
0xa0: {  	[sflag:s22] =	ssyncadd.s32 s4;
	_ =	sdelay $0x1  }
0xa1: {  	s23 =	simm.s32 $0x1B8B  }
0xa2: {  	_ =	swait.ge [sflag:s23], $0x1  }
0xa3: {  	[sflag:s23] =	ssyncset.done $0x0  }
0xa4: {  	s25 =	simm.s32 $0x1B8E;
	s24 =	sld [smem:$0x3FFE];
	[sflag:s23] =	ssyncadd.s32 $0xFFFFFFFF  }
0xa5: {  	s26 =	simm.s32 $execute0_lowered;
	[smem:$0x3FD2] =	sst s25  }
0xa6: {  	s5 =	sshll.u32 s26, $0x1;
	_ =	strace $0x80000046;
	[dreg:$0x1] =	wrdreg $0xFFFFFFFF  }
0xa7: {  	s28 =	simm.s32 $_size_execute0_lowered;
	s3 =	sadd.s32 s3, s5;
	[dreg:$0x0] =	wrdreg $0x0  }
0xa8: {  	s5 =	sshll.u32 s28, $0x1;
	[dreg:$0x2] =	wrdreg s3  }
0xa9: {  	[dreg:$0x3] =	wrdreg s5  }
0xaa: {  	[dreg:$0x4] =	wrdreg $0xC0  }
0xab: {  	_ =	task [dreg:s7], $0x5FFFF  }
0xac: {  	[dreg:$0x1] =	wrdreg $0xFFFFFFFF  }
0xad: {  	[dreg:$0x0] =	wrdreg $0x60  }
0xae: {  	[dreg:$0x2] =	wrdreg s2  }
0xaf: {  	[dreg:$0x3] =	wrdreg s24  }
0xb0: {  	[dreg:$0x4] =	wrdreg $0x9  }
0xb1: {  	_ =	task.clear_ibuf [dreg:s7], $0x5FFFF;
	_ =	strace $0x90000046  }
0xb2: {  	s29 =	simm.s32 $0x9;
	_ =	strace $0x80000048  }
0xb3: {  	_ =	swait.ge [sflag:s29], $0x1  }
0xb4: {  	[sflag:s29] =	ssyncadd.s32 $0xFFFFFFFF  }
0xb5: {  	_ =	strace $0x90000048  }
0xb6: {  	_ =	sfence  }
0xb7: {  	s30 =	sld [smem:$0x0];
	_ =	sdelay $0x2  }
0xb8: {  	s31 =	sshll.u32 s1, $0xD;
	s1 =	sshrl.u32 s1, $0x2  }
0xb9: {  	s3 =	sand.u32 $0x4000, s31;
	s1 =	sadd.s32 s1, s30  }
0xba: {  	s0 =	sor.u32 s3, s0;
	s1 =	sshll.u32 s1, $0x11  }
0xbb: {  	s0 =	sor.u32 s1, s0  }
0xbc: {  	s0 =	sadd.s32 $0x8F2B, s0  }
0xbd: {  	[sflag:s0] =	ssyncadd.remote.s32 $0x1  }
0xbe: {  	_ =	sfence.sel $0xFFFF  }
0xbf: {  	[dreg:$0x0] =	wrdreg $0xFFFFFFFF;
	(pc) =	sbr.abs _section_cstart, $3  }
0xc0: {  	[dreg:$0x1] =	wrdreg $0xFFFFFFFF  }
0xc1: {  	_ =	task.clear_ibuf [dreg:s7], $0x2FFFF;
	_ =	strace $0x9FFFFFFF  }
0xc2: {  	(tm) =	ssettm $0x7FFFFFFF  }
0xc3: {  	_ =	shalt  }
tec
execute0_lowered:
.L_overlay_start_1:
0x0: {  	(tag) =	ssettag $0x1  }
0x1: {  	s1 =	srdreg.scid  }
0x2: {  	s3 =	rddreg [dreg:$0x0];
	s0 =	stileid.u32  }
0x3: {  	s5 =	rddreg [dreg:$0x1];
	s2 =	simm.s32 $0x0;
	s8 =	simm.s32 $0x80  }
0x4: {  	s26 =	simm.s32 $0x880;
	s9 =	simm.s32 $0x1080;
	s10 =	simm.s32 $0x1880  }
0x5: {  	s11 =	simm.s32 $0x2080;
	s12 =	simm.s32 $0x2880;
	s13 =	simm.s32 $0x3080  }
0x6: {  	s14 =	simm.s32 $0x3880;
	s15 =	simm.s32 $0x4080;
	s16 =	simm.s32 $0x4880  }
0x7: {  	s17 =	simm.s32 $0x5080;
	s18 =	simm.s32 $0x5880;
	s19 =	simm.s32 $0x6080  }
0x8: {  	s20 =	simm.s32 $0x6880;
	s21 =	simm.s32 $0x7080;
	s22 =	simm.s32 $0x7880  }
0x9: {  	s23 =	simm.s32 $0x8080;
	s24 =	simm.s32 $0x8880;
	s25 =	simm.s32 $0x9080  }
0xa: {  	s28 =	simm.s32 $0xA080;
	s29 =	simm.s32 $0xA880;
	s30 =	simm.s32 $0xB080  }
0xb: {  	s31 =	simm.s32 $0xB880;
	s1 =	sand.u32 $0x1, s1;
	[smem:$0x7FF] =	sst s2  }
0xc: {  	s4 =	sshll.u32 s0, $0x4;
	s6 =	sshll.u32 s1, $0x3;
	_ =	strace $0x80000047  }
0xd: {  	s1 =	ssub.s32 $0x2, s1;
	[dreg:$0x5] =	wrdreg s26;
	s4 =	sor.u32 s6, s4  }
0xe: {  	s7 =	sshrl.u32 s1, $0x1;
	s6 =	sadd.s32 s4, s5;
	s4 =	smul.u32 $0x300, s4  }
0xf: {  	s26 =	simm.s32 $0x9880;
	s1 =	ssub.s32 s1, s7;
	s6 =	sadd.s32 $0x1600, s6  }
0x10: {  	v2 =	vlaneseq.u32;
	s7 =	simm.s32 $0x2;
	[dreg:$0x3] =	wrdreg s6;
	s4 =	sadd.s32 s3, s4  }
0x11: {  	vm0 =	vmmov $0xffff;
	v1 =	vshrl.u32 v2, $0x3;
	s3 =	sadd.s32 $0x1800, s5;
	s6 =	smax.u32 s1, $0x1;
	s1 =	simm.s32 $0x1  }
0x12: {  	v0 =	vand.u32 $0x7, v2;
	v2 =	vor.u32 $0x8, v2;
	v1 =	vmul.u32 $0x8, v1;
	[dreg:$0x4] =	wrdreg s4;
	s4 =	sadd.s32 $0x1900, s5;
	s5 =	sadd.s32 $0x1A00, s5  }
.LBB2_1:
0x13: {  	s0 =	rddreg [dreg:$0x3]  }
0x14: {  	[tilespmem:s2], [sflag:$0x2] =	stream.linear.gather [hbm4b:s0+s2], $0x40, $0x38;
	[tilespmem:$0xC080] =	vst v63  }
0x15: {  	_ =	swait.ge [sflag:s7], $0x40  }
0x16: {  	[sflag:s7] =	ssyncset.done $0x0  }
0x17: {  	s0 =	rddreg [dreg:$0x4];
	[sflag:s7] =	ssyncadd.s32 $0xFFFFFFC0  }
0x18: {  	[tilespmem:s8], [sflag:$0x2] =	stream.linear.gather [hbm4b:s0+s2], $0xC000, $0x38;
	[tilespmem:$0xC080] =	vst v63  }
0x19: {  	_ =	swait.ge [sflag:s7], $0xC000  }
0x1a: {  	[sflag:s7] =	ssyncset.done $0x0  }
0x1b: {  	[sflag:s7] =	ssyncadd.s32 $0xFFFF4000  }
0x1c: {  	v3 =	vld [tilespmem:$0x0];
	_ =	sdelay $0x4  }
0x1d: {  	v4 =	vshrl.u32 v3, $0x3  }
0x1e: {  	v4 =	vmul.u32 $0x30, v4  }
0x1f: {  	v3 =	vand.u32 $0x7, v3  }
0x20: {  	v3 =	vor.u32 v3, v4  }
0x21: {  	v4 =	vperm.xlane v3, v0;
	_ =	sdelay $0x1  }
0x22: {  	v4 =	vadd.s32 v1, v4;
	_ =	sdelay $0x3  }
0x23: {  	v3 =	vperm.xlane v3, v2  }
0x24: {  	[hbm4b:s3+s2] =	stream.indirect_vreg.scatter [tilespmem:s8], [sflag:$0x1], $0x80, v4, vm0, $0xb8;
	[tilespmem:$0xC080] =	vst v63  }
0x25: {  	s0 =	rddreg [dreg:$0x5];
	v3 =	vadd.s32 v1, v3  }
0x26: {  	[hbm4b:s4+s2] =	stream.indirect_vreg.scatter [tilespmem:s0], [sflag:$0x1], $0x80, v4, vm0, $0xb8;
	[tilespmem:$0xC080] =	vst v63  }
0x27: {  	_ = 	snop  }
0x28: {  	[hbm4b:s5+s2] =	stream.indirect_vreg.scatter [tilespmem:s9], [sflag:$0x1], $0x80, v4, vm0, $0xb8;
	[tilespmem:$0xC080] =	vst v63  }
0x29: {  	_ = 	snop  }
0x2a: {  	[hbm4b:s3+s2] =	stream.indirect_vreg.scatter [tilespmem:s10], [sflag:$0x1], $0x80, v3, vm0, $0xb8;
	[tilespmem:$0xC080] =	vst v63  }
0x2b: {  	_ = 	snop  }
0x2c: {  	[hbm4b:s4+s2] =	stream.indirect_vreg.scatter [tilespmem:s11], [sflag:$0x1], $0x80, v3, vm0, $0xb8;
	[tilespmem:$0xC080] =	vst v63  }
0x2d: {  	_ = 	snop  }
0x2e: {  	[hbm4b:s5+s2] =	stream.indirect_vreg.scatter [tilespmem:s12], [sflag:$0x1], $0x80, v3, vm0, $0xb8;
	[tilespmem:$0xC080] =	vst v63  }
0x2f: {  	v3 =	vld [tilespmem:$0x10];
	_ =	sdelay $0x4  }
0x30: {  	v61 =	vshrl.u32 v3, $0x3  }
0x31: {  	v4 =	vmul.u32 $0x30, v61  }
0x32: {  	v3 =	vand.u32 $0x7, v3  }
0x33: {  	v3 =	vor.u32 v3, v4  }
0x34: {  	v4 =	vperm.xlane v3, v0;
	_ =	sdelay $0x1  }
0x35: {  	v4 =	vadd.s32 v1, v4;
	_ =	sdelay $0x3  }
0x36: {  	v3 =	vperm.xlane v3, v2  }
0x37: {  	[hbm4b:s3+s2] =	stream.indirect_vreg.scatter [tilespmem:s13], [sflag:$0x1], $0x80, v4, vm0, $0xb8;
	[tilespmem:$0xC080] =	vst v63  }
0x38: {  	v3 =	vadd.s32 v1, v3  }
0x39: {  	[hbm4b:s4+s2] =	stream.indirect_vreg.scatter [tilespmem:s14], [sflag:$0x1], $0x80, v4, vm0, $0xb8;
	[tilespmem:$0xC080] =	vst v63  }
0x3a: {  	_ = 	snop  }
0x3b: {  	[hbm4b:s5+s2] =	stream.indirect_vreg.scatter [tilespmem:s15], [sflag:$0x1], $0x80, v4, vm0, $0xb8;
	[tilespmem:$0xC080] =	vst v63  }
0x3c: {  	_ = 	snop  }
0x3d: {  	[hbm4b:s3+s2] =	stream.indirect_vreg.scatter [tilespmem:s16], [sflag:$0x1], $0x80, v3, vm0, $0xb8;
	[tilespmem:$0xC080] =	vst v63  }
0x3e: {  	_ = 	snop  }
0x3f: {  	[hbm4b:s4+s2] =	stream.indirect_vreg.scatter [tilespmem:s17], [sflag:$0x1], $0x80, v3, vm0, $0xb8;
	[tilespmem:$0xC080] =	vst v63  }
0x40: {  	_ = 	snop  }
0x41: {  	[hbm4b:s5+s2] =	stream.indirect_vreg.scatter [tilespmem:s18], [sflag:$0x1], $0x80, v3, vm0, $0xb8;
	[tilespmem:$0xC080] =	vst v63  }
0x42: {  	v3 =	vld [tilespmem:$0x20];
	_ =	sdelay $0x4  }
0x43: {  	v62 =	vshrl.u32 v3, $0x3  }
0x44: {  	v4 =	vmul.u32 $0x30, v62  }
0x45: {  	v3 =	vand.u32 $0x7, v3  }
0x46: {  	v3 =	vor.u32 v3, v4  }
0x47: {  	v4 =	vperm.xlane v3, v0;
	_ =	sdelay $0x1  }
0x48: {  	v4 =	vadd.s32 v1, v4;
	_ =	sdelay $0x3  }
0x49: {  	v3 =	vperm.xlane v3, v2  }
0x4a: {  	[hbm4b:s3+s2] =	stream.indirect_vreg.scatter [tilespmem:s19], [sflag:$0x1], $0x80, v4, vm0, $0xb8;
	[tilespmem:$0xC080] =	vst v63  }
0x4b: {  	v3 =	vadd.s32 v1, v3  }
0x4c: {  	[hbm4b:s4+s2] =	stream.indirect_vreg.scatter [tilespmem:s20], [sflag:$0x1], $0x80, v4, vm0, $0xb8;
	[tilespmem:$0xC080] =	vst v63  }
0x4d: {  	_ = 	snop  }
0x4e: {  	[hbm4b:s5+s2] =	stream.indirect_vreg.scatter [tilespmem:s21], [sflag:$0x1], $0x80, v4, vm0, $0xb8;
	[tilespmem:$0xC080] =	vst v63  }
0x4f: {  	_ = 	snop  }
0x50: {  	[hbm4b:s3+s2] =	stream.indirect_vreg.scatter [tilespmem:s22], [sflag:$0x1], $0x80, v3, vm0, $0xb8;
	[tilespmem:$0xC080] =	vst v63  }
0x51: {  	_ = 	snop  }
0x52: {  	[hbm4b:s4+s2] =	stream.indirect_vreg.scatter [tilespmem:s23], [sflag:$0x1], $0x80, v3, vm0, $0xb8;
	[tilespmem:$0xC080] =	vst v63  }
0x53: {  	_ = 	snop  }
0x54: {  	[hbm4b:s5+s2] =	stream.indirect_vreg.scatter [tilespmem:s24], [sflag:$0x1], $0x80, v3, vm0, $0xb8;
	[tilespmem:$0xC080] =	vst v63  }
0x55: {  	v3 =	vld [tilespmem:$0x30];
	_ =	sdelay $0x4  }
0x56: {  	v63 =	vshrl.u32 v3, $0x3  }
0x57: {  	v4 =	vmul.u32 $0x30, v63  }
0x58: {  	v3 =	vand.u32 $0x7, v3  }
0x59: {  	v3 =	vor.u32 v3, v4  }
0x5a: {  	v4 =	vperm.xlane v3, v0;
	_ =	sdelay $0x1  }
0x5b: {  	v4 =	vadd.s32 v1, v4;
	_ =	sdelay $0x3  }
0x5c: {  	v3 =	vperm.xlane v3, v2  }
0x5d: {  	[hbm4b:s3+s2] =	stream.indirect_vreg.scatter [tilespmem:s25], [sflag:$0x1], $0x80, v4, vm0, $0xb8;
	[tilespmem:$0xC080] =	vst v63  }
0x5e: {  	v3 =	vadd.s32 v1, v3  }
0x5f: {  	[hbm4b:s4+s2] =	stream.indirect_vreg.scatter [tilespmem:s26], [sflag:$0x1], $0x80, v4, vm0, $0xb8;
	[tilespmem:$0xC080] =	vst v63  }
0x60: {  	_ = 	snop  }
0x61: {  	[hbm4b:s5+s2] =	stream.indirect_vreg.scatter [tilespmem:s28], [sflag:$0x1], $0x80, v4, vm0, $0xb8;
	[tilespmem:$0xC080] =	vst v63  }
0x62: {  	_ = 	snop  }
0x63: {  	[hbm4b:s3+s2] =	stream.indirect_vreg.scatter [tilespmem:s29], [sflag:$0x1], $0x80, v3, vm0, $0xb8;
	[tilespmem:$0xC080] =	vst v63  }
0x64: {  	p0 =	sne.s32 s6, $0x1  }
0x65: {  	[hbm4b:s4+s2] =	stream.indirect_vreg.scatter [tilespmem:s30], [sflag:$0x1], $0x80, v3, vm0, $0xb8;
	[tilespmem:$0xC080] =	vst v63  }
.Ltmp0:
0x66: {  	_ = 	snop;
	(pc) =	sbr.rel @p0 .LBB2_1-.Ltmp0, $4  }
0x67: {  	[hbm4b:s5+s2] =	stream.indirect_vreg.scatter [tilespmem:s31], [sflag:$0x1], $0x80, v3, vm0, $0xb8;
	[tilespmem:$0xC080] =	vst v63  }
0x68: {  	_ =	swait.ge [sflag:s1], $0xC000  }
0x69: {  	[sflag:s1] =	ssyncset.done $0x0  }
0x6a: {  	s6 =	sadd.s32 $0xFFFFFFFF, s6;
	[sflag:s1] =	ssyncadd.s32 $0xFFFF4000  }
0x6b: {  	_ =	sfence.sel $0x180000  }
0x6c: {  	[bflag:$0x0] =	sbarrier.arrive $0xFFFF  }
0x6d: {  	_ =	strace $0x90000047  }
0x6e: {  	s0 =	stileid.u32;
	[bflag:$0x2] =	sbarrier.arrive $0xFFFF  }
0x6f: {  	p0 =	sne.s32 s0, $0x0;
	s0 =	rddreg [dreg:$0x2]  }
0x70: {  	s0 =	sadd.s32 @!p0 $0x100000, s0  }
0x71: {  	[sflag:s0] =	ssyncadd.tile.s32 @!p0 $0x1;
	_ =	shalt  }
.Lfunc_end2:
_tile_overlayer_lowered:
.L_overlay_start_2:
0x72: {  	(tag) =	ssettag $0x2  }
0x73: {  	s0 =	rddreg [dreg:$0x0];
	s2 =	stileid.u32  }
0x74: {  	s1 =	rddreg [dreg:$0x1];
	p0 =	sne.s32 s2, $0x0  }
0x75: {  	s3 =	rddreg [dreg:$0x2];
	[bflag:$0x3] =	sbarrier.arrive $0xFFFF;
	s2 =	simm.s32 @!p0 $0x1C02  }
0x76: {  	[timem:s3], [sflag:s2] =	dma.local @!p0 [hbm:s0], s1  }
0x77: {  	s0 =	simm.s32 @!p0 $0x2  }
0x78: {  	_ =	swait.ge @!p0 [sflag:s0], s1  }
0x79: {  	s1 =	ssub.s32 @!p0 $0x0, s1;
	[sflag:s0] =	ssyncset.done @!p0 $0x0  }
0x7a: {  	[sflag:s0] =	ssyncadd.s32 @!p0 s1  }
0x7b: {  	[bflag:$0x3] =	sbarrier.arrive $0xFFFF  }
0x7c: {  	_ =	shalt  }

</sc_bundles>
